<compile_context>
chip_gen: v7x
topology: tpu7x:2x2x1
jax: 0.10.2.dev20260603
libtpu: 0.0.44.dev20260713+nightly
codegen_flags: <defaults>
</compile_context>

<pallas_src>
import functools

import jax
import jax.numpy as jnp
from jax import lax
from jax.experimental import pallas as pl
from jax.experimental.pallas import tpu as pltpu
from jax.experimental.pallas import tpu_sc as plsc

N = 10000
DIM = 128
K = 16
E = N * K
NPAD = 10240
RB = 256
NB = 400
EB = NB * K
CH = 128
NW = 32
EPAD = 1280 * CH
CPW = EPAD // CH // NW
F32 = jnp.float32


def _mm(a, b, precision=lax.Precision.HIGHEST):
    return lax.dot_general(a, b, (((1,), (0,)), ((), ())),
                           preferred_element_type=F32, precision=precision)



NG = NPAD // 128
LVL = 3


def _knn_body(prow_ref, pcol_ref, nbr_ref):
    pr = prow_ref[...]
    pc = pcol_ref[...]
    dot = _mm(pr, pc, precision=lax.Precision.DEFAULT)
    sq_r = jnp.sum(pr * pr, axis=1, keepdims=True)
    sq_c = jnp.sum(pc * pc, axis=0, keepdims=True)
    d2 = (sq_r + sq_c - 2.0 * dot).reshape(RB, NG, 128)
    inf = jnp.float32(jnp.inf)

    giota = lax.broadcasted_iota(jnp.int32, (RB, NG, 128), 1)
    vals, cols = [], []
    liota = lax.broadcasted_iota(jnp.int32, (RB, 1, 128), 2)
    for _ in range(LVL):
        lv = jnp.min(d2, axis=1, keepdims=True)
        ga = jnp.min(jnp.where(d2 == lv, giota, NG), axis=1, keepdims=True)
        vals.append(lv)
        cols.append(ga * 128 + liota)
        d2 = jnp.where(giota == ga, inf, d2)

    cv = jnp.concatenate(vals, axis=1).reshape(RB, LVL * 128)
    cc = jnp.concatenate(cols, axis=1).reshape(RB, LVL * 128)
    out = []
    for _ in range(K):
        m = jnp.min(cv, axis=1, keepdims=True)
        idx = jnp.min(jnp.where(cv == m, cc, NPAD), axis=1, keepdims=True)
        out.append(idx)
        cv = jnp.where(cc == idx, inf, cv)
    nbr_ref[...] = jnp.concatenate(out, axis=1)



def _proj_body(x_ref, pos_ref, wq_ref, bq_ref, wk_ref, bk_ref, wv_ref,
               bv_ref, wr1_ref, q_ref, tbl_ref, pn_ref):
    x = x_ref[...]
    q_ref[...] = _mm(x, wq_ref[...]) + bq_ref[...]
    kb = lax.bitcast_convert_type(_mm(x, wk_ref[...]) + bk_ref[...], jnp.int32)
    vb = lax.bitcast_convert_type(_mm(x, wv_ref[...]) + bv_ref[...], jnp.int32)
    kw = lax.shift_right_logical(kb + 0x8000, 16)
    vw = (vb + 0x8000) & jnp.int32(-65536)
    pn = _mm(pos_ref[...], wr1_ref[...])
    tbl_ref[:, :DIM] = kw | vw
    tbl_ref[:, DIM:] = lax.bitcast_convert_type(pn, jnp.int32)
    pn_ref[...] = pn



def _gather_body(tbl_hbm, idx_hbm, gt_out, idxs, b0, b1, b2, s0, s1, s2):
    wid = lax.axis_index("s") * 2 + lax.axis_index("c")
    base = wid * CPW
    pltpu.sync_copy(idx_hbm.at[pl.ds(base, CPW)], idxs)
    bufs, sems = (b0, b1, b2), (s0, s1, s2)

    def grp(g, carry):
        cps = {}
        def start(j):
            cps[j % 3] = pltpu.async_copy(
                tbl_hbm.at[idxs.at[g * 8 + j]], bufs[j % 3], sems[j % 3])
        def drain(j):
            cps[j % 3].wait()
            c = base + g * 8 + j
            pltpu.sync_copy(bufs[j % 3], gt_out.at[pl.ds(c * CH, CH)])
        start(0)
        start(1)
        for j in range(2, 8):
            start(j)
            drain(j - 2)
        drain(6)
        drain(7)
        return carry

    lax.fori_loop(0, CPW // 8, grp, 0)



def _expand(node_vals):
    return jnp.broadcast_to(node_vals[:, None, :], (NB, K, DIM)).reshape(EB, DIM)


def _accum(ref, val, is_first):
    @pl.when(is_first)
    def _():
        ref[...] = jnp.zeros_like(ref)
    ref[...] += val


def _pre1(pni_ref, pnj_ref, br1_ref):
    pnj = lax.bitcast_convert_type(pnj_ref[...], F32)
    return _expand(pni_ref[...]) - pnj + br1_ref[...]


def _rho_pre2(pni_ref, pnj_ref, q_ref, kv_ref, br1_ref,
              sc1_ref, sh1_ref, wr2_ref, br2_ref, wg1_ref, bg1_ref):
    pre1 = _pre1(pni_ref, pnj_ref, br1_ref)
    h = jnp.maximum(pre1 * sc1_ref[...] + sh1_ref[...], 0.0)
    rho = _mm(h, wr2_ref[...]) + br2_ref[...]
    kj = lax.bitcast_convert_type(kv_ref[...] << 16, F32)
    u = _expand(q_ref[...]) - kj + rho
    pre2 = _mm(u, wg1_ref[...]) + bg1_ref[...]
    return rho, pre2


def _stats1_body(pni_ref, pnj_ref, br1_ref, s_ref, ss_ref):
    pre1 = _pre1(pni_ref, pnj_ref, br1_ref)
    first = pl.program_id(0) == 0
    _accum(s_ref, jnp.sum(pre1.reshape(EB // 8, 8, DIM), axis=0), first)
    _accum(ss_ref, jnp.sum((pre1 * pre1).reshape(EB // 8, 8, DIM), axis=0), first)


def _stats2_body(pni_ref, pnj_ref, q_ref, kv_ref, br1_ref, sc1_ref, sh1_ref,
                 wr2_ref, br2_ref, wg1_ref, bg1_ref, s_ref, ss_ref):
    _, pre2 = _rho_pre2(pni_ref, pnj_ref, q_ref, kv_ref, br1_ref, sc1_ref,
                        sh1_ref, wr2_ref, br2_ref, wg1_ref, bg1_ref)
    first = pl.program_id(0) == 0
    _accum(s_ref, jnp.sum(pre2.reshape(EB // 8, 8, DIM), axis=0), first)
    _accum(ss_ref, jnp.sum((pre2 * pre2).reshape(EB // 8, 8, DIM), axis=0), first)


def _final_body(pni_ref, pnj_ref, q_ref, kv_ref, br1_ref, sc1_ref, sh1_ref,
                wr2_ref, br2_ref, wg1_ref, bg1_ref, sc2_ref, sh2_ref,
                wg2_ref, bg2_ref, wo_ref, bo_ref, out_ref):
    rho, pre2 = _rho_pre2(pni_ref, pnj_ref, q_ref, kv_ref, br1_ref, sc1_ref,
                          sh1_ref, wr2_ref, br2_ref, wg1_ref, bg1_ref)
    a = jnp.maximum(pre2 * sc2_ref[...] + sh2_ref[...], 0.0)
    attn = (_mm(a, wg2_ref[...]) + bg2_ref[...]).reshape(NB, K, DIM)
    mx = jnp.max(attn, axis=1, keepdims=True)
    e = jnp.exp(attn - mx)
    dn = jnp.sum(e, axis=1, keepdims=True)
    alpha = e / (dn + 1e-16)
    vj = lax.bitcast_convert_type(kv_ref[...] & jnp.int32(-65536), F32)
    rv = (vj + rho).reshape(NB, K, DIM)
    agg = jnp.sum(alpha * rv, axis=1)
    out_ref[...] = _mm(agg, wo_ref[...]) + bo_ref[...]



def _row_spec(r, w):
    return pl.BlockSpec((r, w), lambda i: (i, 0))


def _rep_spec(r, w):
    return pl.BlockSpec((r, w), lambda i: (0, 0))


_KV_SPEC = pl.BlockSpec((EB, DIM), lambda i: (i, 0))
_PNJ_SPEC = pl.BlockSpec((EB, DIM), lambda i: (i, 1))
_STAT_OUT = [jax.ShapeDtypeStruct((8, DIM), F32)] * 2
_STAT_OUT_SPECS = [pl.BlockSpec((8, DIM), lambda i: (0, 0))] * 2


def kernel(x, pos, batch, Wq, bq, Wk, bk, Wv, bv, Wr1, br1, gr, betar,
           Wr2, br2, Wg1, bg1, gg, betag, Wg2, bg2, Wo, bo):
    del batch

    posp = jnp.concatenate(
        [jnp.pad(pos, ((0, 0), (0, 5))),
         jnp.full((NPAD - N, 8), 1e4, F32)], axis=0)
    pos16 = jnp.pad(pos, ((0, 0), (0, 13)))
    wr1t = jnp.pad(Wr1.T, ((0, 13), (0, 0)))
    row2 = lambda v: v.reshape(1, DIM)

    nbr = pl.pallas_call(
        _knn_body,
        grid=(NPAD // RB,),
        in_specs=[_row_spec(RB, 8), _rep_spec(8, NPAD)],
        out_specs=_row_spec(RB, K),
        out_shape=jax.ShapeDtypeStruct((NPAD, K), jnp.int32),
    )(posp, posp.T)
    idx2d = jnp.pad(nbr[:N].reshape(-1), (0, EPAD - E)).reshape(EPAD // CH, CH)

    q, tbl, pn = pl.pallas_call(
        _proj_body,
        grid=(N // NB,),
        in_specs=[_row_spec(NB, DIM), _row_spec(NB, 16)]
        + [_rep_spec(DIM, DIM), _rep_spec(1, DIM)] * 3 + [_rep_spec(16, DIM)],
        out_specs=[_row_spec(NB, DIM), _row_spec(NB, 2 * DIM),
                   _row_spec(NB, DIM)],
        out_shape=[jax.ShapeDtypeStruct((N, DIM), F32),
                   jax.ShapeDtypeStruct((N, 2 * DIM), jnp.int32),
                   jax.ShapeDtypeStruct((N, DIM), F32)],
    )(x, pos16, Wq.T, row2(bq), Wk.T, row2(bk), Wv.T, row2(bv), wr1t)

    gather = functools.partial(
        pl.kernel,
        mesh=plsc.VectorSubcoreMesh(core_axis_name="c", subcore_axis_name="s"),
        out_type=jax.ShapeDtypeStruct((EPAD, 2 * DIM), jnp.int32),
        scratch_types=[pltpu.VMEM((CPW, CH), jnp.int32),
                       pltpu.VMEM((CH, 2 * DIM), jnp.int32),
                       pltpu.VMEM((CH, 2 * DIM), jnp.int32),
                       pltpu.VMEM((CH, 2 * DIM), jnp.int32),
                       pltpu.SemaphoreType.DMA,
                       pltpu.SemaphoreType.DMA,
                       pltpu.SemaphoreType.DMA],
    )(_gather_body)
    gt = gather(tbl, idx2d)

    edge_grid = dict(grid=(E // EB,))

    s1, ss1 = pl.pallas_call(
        _stats1_body,
        in_specs=[_row_spec(NB, DIM), _PNJ_SPEC, _rep_spec(1, DIM)],
        out_specs=_STAT_OUT_SPECS, out_shape=_STAT_OUT, **edge_grid,
    )(pn, gt, row2(br1))
    mean1 = s1.sum(axis=0) / E
    var1 = ss1.sum(axis=0) / E - mean1 * mean1
    scale1 = gr / jnp.sqrt(var1 + 1e-5)
    shift1 = betar - mean1 * scale1

    mid_specs = [_row_spec(NB, DIM), _PNJ_SPEC, _row_spec(NB, DIM),
                 _KV_SPEC,
                 _rep_spec(1, DIM), _rep_spec(1, DIM), _rep_spec(1, DIM),
                 _rep_spec(DIM, DIM), _rep_spec(1, DIM),
                 _rep_spec(DIM, DIM), _rep_spec(1, DIM)]
    mid_args = (pn, gt, q, gt, row2(br1), row2(scale1), row2(shift1),
                Wr2.T, row2(br2), Wg1.T, row2(bg1))
    s2, ss2 = pl.pallas_call(
        _stats2_body,
        in_specs=mid_specs, out_specs=_STAT_OUT_SPECS, out_shape=_STAT_OUT,
        **edge_grid,
    )(*mid_args)
    mean2 = s2.sum(axis=0) / E
    var2 = ss2.sum(axis=0) / E - mean2 * mean2
    scale2 = gg / jnp.sqrt(var2 + 1e-5)
    shift2 = betag - mean2 * scale2

    out = pl.pallas_call(
        _final_body,
        in_specs=mid_specs + [
            _rep_spec(1, DIM), _rep_spec(1, DIM),
            _rep_spec(DIM, DIM), _rep_spec(1, DIM),
            _rep_spec(DIM, DIM), _rep_spec(1, DIM)],
        out_specs=_row_spec(NB, DIM),
        out_shape=jax.ShapeDtypeStruct((N, DIM), F32),
        **edge_grid,
    )(*mid_args, row2(scale2), row2(shift2), Wg2.T, row2(bg2),
      Wo.T, row2(bo))
    return out

# --- scband reference (transcript-rebuilt; emitter-appended) ---
"""Pipeline reference for scband-point-transformer-layer-19920058319196 (READ-ONLY COPY).

The authoritative reference and input builder live on the scoring server;
editing this copy changes nothing except your own understanding.
"""

import jax, jax.numpy as jnp
import numpy as np

N = 10000
D_IN = 128
D_OUT = 128
K = 16

def _lin_init(key, fan_out, fan_in):
    k1, k2 = jax.random.split(key)
    lim = 1.0 / np.sqrt(fan_in)
    W = jax.random.uniform(k1, (fan_out, fan_in), minval=-lim, maxval=lim, dtype=jnp.float32)
    b = jax.random.uniform(k2, (fan_out,), minval=-lim, maxval=lim, dtype=jnp.float32)
    return W, b

def setup_inputs(seed: int = 0):
    key = jax.random.key(seed)
    keys = jax.random.split(key, 12)
    x = jax.random.normal(keys[0], (N, D_IN), dtype=jnp.float32)
    pos = jax.random.normal(keys[1], (N, 3), dtype=jnp.float32)
    batch = jnp.zeros((N,), dtype=jnp.int32)
    Wq, bq = _lin_init(keys[2], D_OUT, D_IN)
    Wk, bk = _lin_init(keys[3], D_OUT, D_IN)
    Wv, bv = _lin_init(keys[4], D_OUT, D_IN)
    Wr1, br1 = _lin_init(keys[5], D_OUT, 3)
    gr = jnp.ones((D_OUT,), dtype=jnp.float32)
    betar = jnp.zeros((D_OUT,), dtype=jnp.float32)
    Wr2, br2 = _lin_init(keys[6], D_OUT, D_OUT)
    Wg1, bg1 = _lin_init(keys[7], D_OUT, D_OUT)
    gg = jnp.ones((D_OUT,), dtype=jnp.float32)
    betag = jnp.zeros((D_OUT,), dtype=jnp.float32)
    Wg2, bg2 = _lin_init(keys[8], D_OUT, D_OUT)
    Wo, bo = _lin_init(keys[9], D_OUT, D_OUT)
    return {"x": x, "pos": pos, "batch": batch,
            "Wq": Wq, "bq": bq, "Wk": Wk, "bk": bk, "Wv": Wv, "bv": bv,
            "Wr1": Wr1, "br1": br1, "gr": gr, "betar": betar, "Wr2": Wr2, "br2": br2,
            "Wg1": Wg1, "bg1": bg1, "gg": gg, "betag": betag, "Wg2": Wg2, "bg2": bg2,
            "Wo": Wo, "bo": bo}

def _bn_train(h, g, b):
    m = jnp.mean(h, axis=0)
    v = jnp.var(h, axis=0)
    return (h - m) / jnp.sqrt(v + 1e-5) * g + b

def _knn_edges(pos):
    # single point cloud (batch all zeros) -> global kNN == per-batch kNN
    sq = jnp.sum(pos * pos, axis=1)
    d2 = sq[:, None] + sq[None, :] - 2.0 * (pos @ pos.T)
    _, nbr = jax.lax.top_k(-d2, K)  # k smallest distances (incl. self)
    row = nbr.reshape(-1)                                  # neighbor j (source)
    col = jnp.repeat(jnp.arange(N, dtype=jnp.int32), K)    # center i (target)
    return row, col

def reference(x, pos, batch, Wq, bq, Wk, bk, Wv, bv, Wr1, br1, gr, betar, Wr2, br2, Wg1, bg1, gg, betag, Wg2, bg2, Wo, bo):
    row, col = _knn_edges(pos)
    q_i = (x @ Wq.T + bq)[col]
    k_j = (x @ Wk.T + bk)[row]
    v_j = (x @ Wv.T + bv)[row]
    delta_p = pos[col] - pos[row]
    h = jax.nn.relu(_bn_train(delta_p @ Wr1.T + br1, gr, betar))
    rho = h @ Wr2.T + br2
    a = jax.nn.relu(_bn_train((q_i - k_j + rho) @ Wg1.T + bg1, gg, betag))
    attn = a @ Wg2.T + bg2
    seg_max = jax.ops.segment_max(attn, col, num_segments=N)
    e = jnp.exp(attn - seg_max[col])
    denom = jax.ops.segment_sum(e, col, num_segments=N)
    alpha = e / (denom[col] + 1e-16)
    m = alpha * (v_j + rho)
    agg = jax.ops.segment_sum(m, col, num_segments=N)
    return agg @ Wo.T + bo

if __name__ == "__main__":
    import jax
    _d = setup_inputs()
    print(jax.jit(kernel)(*tuple(_d.values())))

</pallas_src>

<mosaic_0001>
#map = affine_map<(d0, d1) -> (0, 0)>
module attributes {stable_mosaic.version = 14 : i64} {
  func.func @_gather_body(%arg0: i32, %arg1: i32, %arg2: memref<10000x256xi32, #tpu.memory_space<hbm>>, %arg3: memref<1280x128xi32, #tpu.memory_space<hbm>>, %arg4: memref<163840x256xi32, #tpu.memory_space<hbm>>, %arg5: memref<40x128xi32, #tpu.memory_space<vmem>>, %arg6: memref<128x256xi32, #tpu.memory_space<vmem>>, %arg7: memref<128x256xi32, #tpu.memory_space<vmem>>, %arg8: memref<128x256xi32, #tpu.memory_space<vmem>>, %arg9: memref<!tpu.dma_semaphore, #tpu.memory_space<semaphore_mem>>, %arg10: memref<!tpu.dma_semaphore, #tpu.memory_space<semaphore_mem>>, %arg11: memref<!tpu.dma_semaphore, #tpu.memory_space<semaphore_mem>>) attributes {dimension_semantics = [#tpu.dimension_semantics<core_parallel>, #tpu.dimension_semantics<subcore_parallel>], iteration_bounds = array<i64: 2, 16>, scalar_prefetch = 0 : i64, scratch_operands = 7 : i64, tpu.core_type = #tpu.core_type<sc_vector_subcore>, window_params = [{transform_indices = #map}, {transform_indices = #map}, {transform_indices = #map}]} {
    %mul3A = arith.constant 2 : i32
    %mul3A_0 = arith.muli %arg1, %mul3A : i32
    %add3A = arith.addi %mul3A_0, %arg0 : i32
    %mul3A_1 = arith.constant 40 : i32
    %mul3A_2 = arith.muli %add3A, %mul3A_1 : i32
    "tpu.region"() ({
      %run_scoped3A = tpu.sem_alloc : memref<!tpu.dma_semaphore, #tpu.memory_space<semaphore_mem>>
      %dma_start3A = arith.constant 0 : i32
      %dma_start3A_8 = tpu.memref_slice %arg3[%mul3A_2, %dma_start3A] : memref<1280x128xi32, #tpu.memory_space<hbm>> -> memref<40x128xi32, #tpu.memory_space<hbm>>
      %dma_start3A_9 = arith.constant 0 : i32
      %dma_start3A_10 = tpu.memref_slice %arg3[%mul3A_2, %dma_start3A_9] : memref<1280x128xi32, #tpu.memory_space<hbm>> -> memref<40x128xi32, #tpu.memory_space<hbm>>
      tpu.enqueue_dma source(%dma_start3A_10 : memref<40x128xi32, #tpu.memory_space<hbm>>) target(%arg5 : memref<40x128xi32, #tpu.memory_space<vmem>>) target_semaphore(%run_scoped3A : memref<!tpu.dma_semaphore, #tpu.memory_space<semaphore_mem>>)
      %dma_wait3A = arith.constant 0 : i32
      %dma_wait3A_11 = tpu.memref_slice %arg3[%mul3A_2, %dma_wait3A] : memref<1280x128xi32, #tpu.memory_space<hbm>> -> memref<40x128xi32, #tpu.memory_space<hbm>>
      %dma_wait3A_12 = arith.constant 0 : i32
      %dma_wait3A_13 = tpu.memref_slice %arg3[%mul3A_2, %dma_wait3A_12] : memref<1280x128xi32, #tpu.memory_space<hbm>> -> memref<40x128xi32, #tpu.memory_space<hbm>>
      tpu.wait_dma2 semaphore(%run_scoped3A : memref<!tpu.dma_semaphore, #tpu.memory_space<semaphore_mem>>) src(%dma_wait3A_13 : memref<40x128xi32, #tpu.memory_space<hbm>>) dst(%arg5 : memref<40x128xi32, #tpu.memory_space<vmem>>)
      tpu.yield
    }) : () -> ()
    %scan3A = arith.constant 0 : i32
    %scan3A_3 = arith.constant 0 : i32
    %scan3A_4 = arith.constant 5 : i32
    %scan3A_5 = arith.addi %scan3A_3, %scan3A_4 : i32
    %scan3A_6 = arith.constant 1 : i32
    scf.for %scan3A_8 = %scan3A_3 to %scan3A_5 step %scan3A_6  : i32 {
      %mul3A_9 = arith.constant 8 : i32
      %mul3A_10 = arith.muli %scan3A_8, %mul3A_9 : i32
      %add3A_11 = arith.constant 0 : i32
      %add3A_12 = arith.addi %mul3A_10, %add3A_11 : i32
      %dma_start3A = arith.constant 0 : i32
      %dma_start3A_13 = tpu.memref_slice %arg5[%add3A_12, %dma_start3A] : memref<40x128xi32, #tpu.memory_space<vmem>> -> memref<1x128xi32, #tpu.memory_space<vmem>>
      %dma_start3A_14 = tpu.memref_squeeze %dma_start3A_13 : memref<1x128xi32, #tpu.memory_space<vmem>> -> memref<128xi32, #tpu.memory_space<vmem>>
      %dma_start3A_15 = arith.constant 0 : i32
      %dma_start3A_16 = arith.constant 0 : i32
      %dma_start3A_17 = tpu.memref_slice %arg2[%dma_start3A_15, %dma_start3A_16] : memref<10000x256xi32, #tpu.memory_space<hbm>> -> memref<10000x256xi32, #tpu.memory_space<hbm>>
      tpu.enqueue_indirect_dma source(%dma_start3A_17 : memref<10000x256xi32, #tpu.memory_space<hbm>>) target(%arg6 : memref<128x256xi32, #tpu.memory_space<vmem>>) offsets(%dma_start3A_14 : memref<128xi32, #tpu.memory_space<vmem>>) semaphore(%arg9 : memref<!tpu.dma_semaphore, #tpu.memory_space<semaphore_mem>>)
      %mul3A_18 = arith.constant 8 : i32
      %mul3A_19 = arith.muli %scan3A_8, %mul3A_18 : i32
      %add3A_20 = arith.constant 1 : i32
      %add3A_21 = arith.addi %mul3A_19, %add3A_20 : i32
      %dma_start3A_22 = arith.constant 0 : i32
      %dma_start3A_23 = tpu.memref_slice %arg5[%add3A_21, %dma_start3A_22] : memref<40x128xi32, #tpu.memory_space<vmem>> -> memref<1x128xi32, #tpu.memory_space<vmem>>
      %dma_start3A_24 = tpu.memref_squeeze %dma_start3A_23 : memref<1x128xi32, #tpu.memory_space<vmem>> -> memref<128xi32, #tpu.memory_space<vmem>>
      %dma_start3A_25 = arith.constant 0 : i32
      %dma_start3A_26 = arith.constant 0 : i32
      %dma_start3A_27 = tpu.memref_slice %arg2[%dma_start3A_25, %dma_start3A_26] : memref<10000x256xi32, #tpu.memory_space<hbm>> -> memref<10000x256xi32, #tpu.memory_space<hbm>>
      tpu.enqueue_indirect_dma source(%dma_start3A_27 : memref<10000x256xi32, #tpu.memory_space<hbm>>) target(%arg7 : memref<128x256xi32, #tpu.memory_space<vmem>>) offsets(%dma_start3A_24 : memref<128xi32, #tpu.memory_space<vmem>>) semaphore(%arg10 : memref<!tpu.dma_semaphore, #tpu.memory_space<semaphore_mem>>)
      %mul3A_28 = arith.constant 8 : i32
      %mul3A_29 = arith.muli %scan3A_8, %mul3A_28 : i32
      %add3A_30 = arith.constant 2 : i32
      %add3A_31 = arith.addi %mul3A_29, %add3A_30 : i32
      %dma_start3A_32 = arith.constant 0 : i32
      %dma_start3A_33 = tpu.memref_slice %arg5[%add3A_31, %dma_start3A_32] : memref<40x128xi32, #tpu.memory_space<vmem>> -> memref<1x128xi32, #tpu.memory_space<vmem>>
      %dma_start3A_34 = tpu.memref_squeeze %dma_start3A_33 : memref<1x128xi32, #tpu.memory_space<vmem>> -> memref<128xi32, #tpu.memory_space<vmem>>
      %dma_start3A_35 = arith.constant 0 : i32
      %dma_start3A_36 = arith.constant 0 : i32
      %dma_start3A_37 = tpu.memref_slice %arg2[%dma_start3A_35, %dma_start3A_36] : memref<10000x256xi32, #tpu.memory_space<hbm>> -> memref<10000x256xi32, #tpu.memory_space<hbm>>
      tpu.enqueue_indirect_dma source(%dma_start3A_37 : memref<10000x256xi32, #tpu.memory_space<hbm>>) target(%arg8 : memref<128x256xi32, #tpu.memory_space<vmem>>) offsets(%dma_start3A_34 : memref<128xi32, #tpu.memory_space<vmem>>) semaphore(%arg11 : memref<!tpu.dma_semaphore, #tpu.memory_space<semaphore_mem>>)
      %dma_wait3A = arith.constant 0 : i32
      %dma_wait3A_38 = tpu.memref_slice %arg5[%add3A_12, %dma_wait3A] : memref<40x128xi32, #tpu.memory_space<vmem>> -> memref<1x128xi32, #tpu.memory_space<vmem>>
      %dma_wait3A_39 = tpu.memref_squeeze %dma_wait3A_38 : memref<1x128xi32, #tpu.memory_space<vmem>> -> memref<128xi32, #tpu.memory_space<vmem>>
      %dma_wait3A_40 = arith.constant 0 : i32
      %dma_wait3A_41 = arith.constant 0 : i32
      %dma_wait3A_42 = tpu.memref_slice %arg2[%dma_wait3A_40, %dma_wait3A_41] : memref<10000x256xi32, #tpu.memory_space<hbm>> -> memref<10000x256xi32, #tpu.memory_space<hbm>>
      tpu.wait_indirect_dma semaphore(%arg9 : memref<!tpu.dma_semaphore, #tpu.memory_space<semaphore_mem>>) src(%dma_wait3A_42 : memref<10000x256xi32, #tpu.memory_space<hbm>>) dst(%arg6 : memref<128x256xi32, #tpu.memory_space<vmem>>)
      %mul3A_43 = arith.constant 8 : i32
      %mul3A_44 = arith.muli %scan3A_8, %mul3A_43 : i32
      %add3A_45 = arith.addi %mul3A_2, %mul3A_44 : i32
      %add3A_46 = arith.constant 0 : i32
      %add3A_47 = arith.addi %add3A_45, %add3A_46 : i32
      %mul3A_48 = arith.constant 128 : i32
      %mul3A_49 = arith.muli %add3A_47, %mul3A_48 : i32
      "tpu.region"() ({
        %run_scoped3A = tpu.sem_alloc : memref<!tpu.dma_semaphore, #tpu.memory_space<semaphore_mem>>
        %dma_start3A_191 = arith.constant 0 : i32
        %dma_start3A_192 = tpu.memref_slice %arg4[%mul3A_49, %dma_start3A_191] : memref<163840x256xi32, #tpu.memory_space<hbm>> -> memref<128x256xi32, #tpu.memory_space<hbm>>
        %dma_start3A_193 = arith.constant 0 : i32
        %dma_start3A_194 = tpu.memref_slice %arg4[%mul3A_49, %dma_start3A_193] : memref<163840x256xi32, #tpu.memory_space<hbm>> -> memref<128x256xi32, #tpu.memory_space<hbm>>
        tpu.enqueue_dma source(%arg6 : memref<128x256xi32, #tpu.memory_space<vmem>>) target(%dma_start3A_194 : memref<128x256xi32, #tpu.memory_space<hbm>>) target_semaphore(%run_scoped3A : memref<!tpu.dma_semaphore, #tpu.memory_space<semaphore_mem>>)
        %dma_wait3A_195 = arith.constant 0 : i32
        %dma_wait3A_196 = tpu.memref_slice %arg4[%mul3A_49, %dma_wait3A_195] : memref<163840x256xi32, #tpu.memory_space<hbm>> -> memref<128x256xi32, #tpu.memory_space<hbm>>
        %dma_wait3A_197 = arith.constant 0 : i32
        %dma_wait3A_198 = tpu.memref_slice %arg4[%mul3A_49, %dma_wait3A_197] : memref<163840x256xi32, #tpu.memory_space<hbm>> -> memref<128x256xi32, #tpu.memory_space<hbm>>
        tpu.wait_dma2 semaphore(%run_scoped3A : memref<!tpu.dma_semaphore, #tpu.memory_space<semaphore_mem>>) src(%arg6 : memref<128x256xi32, #tpu.memory_space<vmem>>) dst(%dma_wait3A_198 : memref<128x256xi32, #tpu.memory_space<hbm>>)
        tpu.yield
      }) : () -> ()
      %mul3A_50 = arith.constant 8 : i32
      %mul3A_51 = arith.muli %scan3A_8, %mul3A_50 : i32
      %add3A_52 = arith.constant 3 : i32
      %add3A_53 = arith.addi %mul3A_51, %add3A_52 : i32
      %dma_start3A_54 = arith.constant 0 : i32
      %dma_start3A_55 = tpu.memref_slice %arg5[%add3A_53, %dma_start3A_54] : memref<40x128xi32, #tpu.memory_space<vmem>> -> memref<1x128xi32, #tpu.memory_space<vmem>>
      %dma_start3A_56 = tpu.memref_squeeze %dma_start3A_55 : memref<1x128xi32, #tpu.memory_space<vmem>> -> memref<128xi32, #tpu.memory_space<vmem>>
      %dma_start3A_57 = arith.constant 0 : i32
      %dma_start3A_58 = arith.constant 0 : i32
      %dma_start3A_59 = tpu.memref_slice %arg2[%dma_start3A_57, %dma_start3A_58] : memref<10000x256xi32, #tpu.memory_space<hbm>> -> memref<10000x256xi32, #tpu.memory_space<hbm>>
      tpu.enqueue_indirect_dma source(%dma_start3A_59 : memref<10000x256xi32, #tpu.memory_space<hbm>>) target(%arg6 : memref<128x256xi32, #tpu.memory_space<vmem>>) offsets(%dma_start3A_56 : memref<128xi32, #tpu.memory_space<vmem>>) semaphore(%arg9 : memref<!tpu.dma_semaphore, #tpu.memory_space<semaphore_mem>>)
      %dma_wait3A_60 = arith.constant 0 : i32
      %dma_wait3A_61 = tpu.memref_slice %arg5[%add3A_21, %dma_wait3A_60] : memref<40x128xi32, #tpu.memory_space<vmem>> -> memref<1x128xi32, #tpu.memory_space<vmem>>
      %dma_wait3A_62 = tpu.memref_squeeze %dma_wait3A_61 : memref<1x128xi32, #tpu.memory_space<vmem>> -> memref<128xi32, #tpu.memory_space<vmem>>
      %dma_wait3A_63 = arith.constant 0 : i32
      %dma_wait3A_64 = arith.constant 0 : i32
      %dma_wait3A_65 = tpu.memref_slice %arg2[%dma_wait3A_63, %dma_wait3A_64] : memref<10000x256xi32, #tpu.memory_space<hbm>> -> memref<10000x256xi32, #tpu.memory_space<hbm>>
      tpu.wait_indirect_dma semaphore(%arg10 : memref<!tpu.dma_semaphore, #tpu.memory_space<semaphore_mem>>) src(%dma_wait3A_65 : memref<10000x256xi32, #tpu.memory_space<hbm>>) dst(%arg7 : memref<128x256xi32, #tpu.memory_space<vmem>>)
      %mul3A_66 = arith.constant 8 : i32
      %mul3A_67 = arith.muli %scan3A_8, %mul3A_66 : i32
      %add3A_68 = arith.addi %mul3A_2, %mul3A_67 : i32
      %add3A_69 = arith.constant 1 : i32
      %add3A_70 = arith.addi %add3A_68, %add3A_69 : i32
      %mul3A_71 = arith.constant 128 : i32
      %mul3A_72 = arith.muli %add3A_70, %mul3A_71 : i32
      "tpu.region"() ({
        %run_scoped3A = tpu.sem_alloc : memref<!tpu.dma_semaphore, #tpu.memory_space<semaphore_mem>>
        %dma_start3A_191 = arith.constant 0 : i32
        %dma_start3A_192 = tpu.memref_slice %arg4[%mul3A_72, %dma_start3A_191] : memref<163840x256xi32, #tpu.memory_space<hbm>> -> memref<128x256xi32, #tpu.memory_space<hbm>>
        %dma_start3A_193 = arith.constant 0 : i32
        %dma_start3A_194 = tpu.memref_slice %arg4[%mul3A_72, %dma_start3A_193] : memref<163840x256xi32, #tpu.memory_space<hbm>> -> memref<128x256xi32, #tpu.memory_space<hbm>>
        tpu.enqueue_dma source(%arg7 : memref<128x256xi32, #tpu.memory_space<vmem>>) target(%dma_start3A_194 : memref<128x256xi32, #tpu.memory_space<hbm>>) target_semaphore(%run_scoped3A : memref<!tpu.dma_semaphore, #tpu.memory_space<semaphore_mem>>)
        %dma_wait3A_195 = arith.constant 0 : i32
        %dma_wait3A_196 = tpu.memref_slice %arg4[%mul3A_72, %dma_wait3A_195] : memref<163840x256xi32, #tpu.memory_space<hbm>> -> memref<128x256xi32, #tpu.memory_space<hbm>>
        %dma_wait3A_197 = arith.constant 0 : i32
        %dma_wait3A_198 = tpu.memref_slice %arg4[%mul3A_72, %dma_wait3A_197] : memref<163840x256xi32, #tpu.memory_space<hbm>> -> memref<128x256xi32, #tpu.memory_space<hbm>>
        tpu.wait_dma2 semaphore(%run_scoped3A : memref<!tpu.dma_semaphore, #tpu.memory_space<semaphore_mem>>) src(%arg7 : memref<128x256xi32, #tpu.memory_space<vmem>>) dst(%dma_wait3A_198 : memref<128x256xi32, #tpu.memory_space<hbm>>)
        tpu.yield
      }) : () -> ()
      %mul3A_73 = arith.constant 8 : i32
      %mul3A_74 = arith.muli %scan3A_8, %mul3A_73 : i32
      %add3A_75 = arith.constant 4 : i32
      %add3A_76 = arith.addi %mul3A_74, %add3A_75 : i32
      %dma_start3A_77 = arith.constant 0 : i32
      %dma_start3A_78 = tpu.memref_slice %arg5[%add3A_76, %dma_start3A_77] : memref<40x128xi32, #tpu.memory_space<vmem>> -> memref<1x128xi32, #tpu.memory_space<vmem>>
      %dma_start3A_79 = tpu.memref_squeeze %dma_start3A_78 : memref<1x128xi32, #tpu.memory_space<vmem>> -> memref<128xi32, #tpu.memory_space<vmem>>
      %dma_start3A_80 = arith.constant 0 : i32
      %dma_start3A_81 = arith.constant 0 : i32
      %dma_start3A_82 = tpu.memref_slice %arg2[%dma_start3A_80, %dma_start3A_81] : memref<10000x256xi32, #tpu.memory_space<hbm>> -> memref<10000x256xi32, #tpu.memory_space<hbm>>
      tpu.enqueue_indirect_dma source(%dma_start3A_82 : memref<10000x256xi32, #tpu.memory_space<hbm>>) target(%arg7 : memref<128x256xi32, #tpu.memory_space<vmem>>) offsets(%dma_start3A_79 : memref<128xi32, #tpu.memory_space<vmem>>) semaphore(%arg10 : memref<!tpu.dma_semaphore, #tpu.memory_space<semaphore_mem>>)
      %dma_wait3A_83 = arith.constant 0 : i32
      %dma_wait3A_84 = tpu.memref_slice %arg5[%add3A_31, %dma_wait3A_83] : memref<40x128xi32, #tpu.memory_space<vmem>> -> memref<1x128xi32, #tpu.memory_space<vmem>>
      %dma_wait3A_85 = tpu.memref_squeeze %dma_wait3A_84 : memref<1x128xi32, #tpu.memory_space<vmem>> -> memref<128xi32, #tpu.memory_space<vmem>>
      %dma_wait3A_86 = arith.constant 0 : i32
      %dma_wait3A_87 = arith.constant 0 : i32
      %dma_wait3A_88 = tpu.memref_slice %arg2[%dma_wait3A_86, %dma_wait3A_87] : memref<10000x256xi32, #tpu.memory_space<hbm>> -> memref<10000x256xi32, #tpu.memory_space<hbm>>
      tpu.wait_indirect_dma semaphore(%arg11 : memref<!tpu.dma_semaphore, #tpu.memory_space<semaphore_mem>>) src(%dma_wait3A_88 : memref<10000x256xi32, #tpu.memory_space<hbm>>) dst(%arg8 : memref<128x256xi32, #tpu.memory_space<vmem>>)
      %mul3A_89 = arith.constant 8 : i32
      %mul3A_90 = arith.muli %scan3A_8, %mul3A_89 : i32
      %add3A_91 = arith.addi %mul3A_2, %mul3A_90 : i32
      %add3A_92 = arith.constant 2 : i32
      %add3A_93 = arith.addi %add3A_91, %add3A_92 : i32
      %mul3A_94 = arith.constant 128 : i32
      %mul3A_95 = arith.muli %add3A_93, %mul3A_94 : i32
      "tpu.region"() ({
        %run_scoped3A = tpu.sem_alloc : memref<!tpu.dma_semaphore, #tpu.memory_space<semaphore_mem>>
        %dma_start3A_191 = arith.constant 0 : i32
        %dma_start3A_192 = tpu.memref_slice %arg4[%mul3A_95, %dma_start3A_191] : memref<163840x256xi32, #tpu.memory_space<hbm>> -> memref<128x256xi32, #tpu.memory_space<hbm>>
        %dma_start3A_193 = arith.constant 0 : i32
        %dma_start3A_194 = tpu.memref_slice %arg4[%mul3A_95, %dma_start3A_193] : memref<163840x256xi32, #tpu.memory_space<hbm>> -> memref<128x256xi32, #tpu.memory_space<hbm>>
        tpu.enqueue_dma source(%arg8 : memref<128x256xi32, #tpu.memory_space<vmem>>) target(%dma_start3A_194 : memref<128x256xi32, #tpu.memory_space<hbm>>) target_semaphore(%run_scoped3A : memref<!tpu.dma_semaphore, #tpu.memory_space<semaphore_mem>>)
        %dma_wait3A_195 = arith.constant 0 : i32
        %dma_wait3A_196 = tpu.memref_slice %arg4[%mul3A_95, %dma_wait3A_195] : memref<163840x256xi32, #tpu.memory_space<hbm>> -> memref<128x256xi32, #tpu.memory_space<hbm>>
        %dma_wait3A_197 = arith.constant 0 : i32
        %dma_wait3A_198 = tpu.memref_slice %arg4[%mul3A_95, %dma_wait3A_197] : memref<163840x256xi32, #tpu.memory_space<hbm>> -> memref<128x256xi32, #tpu.memory_space<hbm>>
        tpu.wait_dma2 semaphore(%run_scoped3A : memref<!tpu.dma_semaphore, #tpu.memory_space<semaphore_mem>>) src(%arg8 : memref<128x256xi32, #tpu.memory_space<vmem>>) dst(%dma_wait3A_198 : memref<128x256xi32, #tpu.memory_space<hbm>>)
        tpu.yield
      }) : () -> ()
      %mul3A_96 = arith.constant 8 : i32
      %mul3A_97 = arith.muli %scan3A_8, %mul3A_96 : i32
      %add3A_98 = arith.constant 5 : i32
      %add3A_99 = arith.addi %mul3A_97, %add3A_98 : i32
      %dma_start3A_100 = arith.constant 0 : i32
      %dma_start3A_101 = tpu.memref_slice %arg5[%add3A_99, %dma_start3A_100] : memref<40x128xi32, #tpu.memory_space<vmem>> -> memref<1x128xi32, #tpu.memory_space<vmem>>
      %dma_start3A_102 = tpu.memref_squeeze %dma_start3A_101 : memref<1x128xi32, #tpu.memory_space<vmem>> -> memref<128xi32, #tpu.memory_space<vmem>>
      %dma_start3A_103 = arith.constant 0 : i32
      %dma_start3A_104 = arith.constant 0 : i32
      %dma_start3A_105 = tpu.memref_slice %arg2[%dma_start3A_103, %dma_start3A_104] : memref<10000x256xi32, #tpu.memory_space<hbm>> -> memref<10000x256xi32, #tpu.memory_space<hbm>>
      tpu.enqueue_indirect_dma source(%dma_start3A_105 : memref<10000x256xi32, #tpu.memory_space<hbm>>) target(%arg8 : memref<128x256xi32, #tpu.memory_space<vmem>>) offsets(%dma_start3A_102 : memref<128xi32, #tpu.memory_space<vmem>>) semaphore(%arg11 : memref<!tpu.dma_semaphore, #tpu.memory_space<semaphore_mem>>)
      %dma_wait3A_106 = arith.constant 0 : i32
      %dma_wait3A_107 = tpu.memref_slice %arg5[%add3A_53, %dma_wait3A_106] : memref<40x128xi32, #tpu.memory_space<vmem>> -> memref<1x128xi32, #tpu.memory_space<vmem>>
      %dma_wait3A_108 = tpu.memref_squeeze %dma_wait3A_107 : memref<1x128xi32, #tpu.memory_space<vmem>> -> memref<128xi32, #tpu.memory_space<vmem>>
      %dma_wait3A_109 = arith.constant 0 : i32
      %dma_wait3A_110 = arith.constant 0 : i32
      %dma_wait3A_111 = tpu.memref_slice %arg2[%dma_wait3A_109, %dma_wait3A_110] : memref<10000x256xi32, #tpu.memory_space<hbm>> -> memref<10000x256xi32, #tpu.memory_space<hbm>>
      tpu.wait_indirect_dma semaphore(%arg9 : memref<!tpu.dma_semaphore, #tpu.memory_space<semaphore_mem>>) src(%dma_wait3A_111 : memref<10000x256xi32, #tpu.memory_space<hbm>>) dst(%arg6 : memref<128x256xi32, #tpu.memory_space<vmem>>)
      %mul3A_112 = arith.constant 8 : i32
      %mul3A_113 = arith.muli %scan3A_8, %mul3A_112 : i32
      %add3A_114 = arith.addi %mul3A_2, %mul3A_113 : i32
      %add3A_115 = arith.constant 3 : i32
      %add3A_116 = arith.addi %add3A_114, %add3A_115 : i32
      %mul3A_117 = arith.constant 128 : i32
      %mul3A_118 = arith.muli %add3A_116, %mul3A_117 : i32
      "tpu.region"() ({
        %run_scoped3A = tpu.sem_alloc : memref<!tpu.dma_semaphore, #tpu.memory_space<semaphore_mem>>
        %dma_start3A_191 = arith.constant 0 : i32
        %dma_start3A_192 = tpu.memref_slice %arg4[%mul3A_118, %dma_start3A_191] : memref<163840x256xi32, #tpu.memory_space<hbm>> -> memref<128x256xi32, #tpu.memory_space<hbm>>
        %dma_start3A_193 = arith.constant 0 : i32
        %dma_start3A_194 = tpu.memref_slice %arg4[%mul3A_118, %dma_start3A_193] : memref<163840x256xi32, #tpu.memory_space<hbm>> -> memref<128x256xi32, #tpu.memory_space<hbm>>
        tpu.enqueue_dma source(%arg6 : memref<128x256xi32, #tpu.memory_space<vmem>>) target(%dma_start3A_194 : memref<128x256xi32, #tpu.memory_space<hbm>>) target_semaphore(%run_scoped3A : memref<!tpu.dma_semaphore, #tpu.memory_space<semaphore_mem>>)
        %dma_wait3A_195 = arith.constant 0 : i32
        %dma_wait3A_196 = tpu.memref_slice %arg4[%mul3A_118, %dma_wait3A_195] : memref<163840x256xi32, #tpu.memory_space<hbm>> -> memref<128x256xi32, #tpu.memory_space<hbm>>
        %dma_wait3A_197 = arith.constant 0 : i32
        %dma_wait3A_198 = tpu.memref_slice %arg4[%mul3A_118, %dma_wait3A_197] : memref<163840x256xi32, #tpu.memory_space<hbm>> -> memref<128x256xi32, #tpu.memory_space<hbm>>
        tpu.wait_dma2 semaphore(%run_scoped3A : memref<!tpu.dma_semaphore, #tpu.memory_space<semaphore_mem>>) src(%arg6 : memref<128x256xi32, #tpu.memory_space<vmem>>) dst(%dma_wait3A_198 : memref<128x256xi32, #tpu.memory_space<hbm>>)
        tpu.yield
      }) : () -> ()
      %mul3A_119 = arith.constant 8 : i32
      %mul3A_120 = arith.muli %scan3A_8, %mul3A_119 : i32
      %add3A_121 = arith.constant 6 : i32
      %add3A_122 = arith.addi %mul3A_120, %add3A_121 : i32
      %dma_start3A_123 = arith.constant 0 : i32
      %dma_start3A_124 = tpu.memref_slice %arg5[%add3A_122, %dma_start3A_123] : memref<40x128xi32, #tpu.memory_space<vmem>> -> memref<1x128xi32, #tpu.memory_space<vmem>>
      %dma_start3A_125 = tpu.memref_squeeze %dma_start3A_124 : memref<1x128xi32, #tpu.memory_space<vmem>> -> memref<128xi32, #tpu.memory_space<vmem>>
      %dma_start3A_126 = arith.constant 0 : i32
      %dma_start3A_127 = arith.constant 0 : i32
      %dma_start3A_128 = tpu.memref_slice %arg2[%dma_start3A_126, %dma_start3A_127] : memref<10000x256xi32, #tpu.memory_space<hbm>> -> memref<10000x256xi32, #tpu.memory_space<hbm>>
      tpu.enqueue_indirect_dma source(%dma_start3A_128 : memref<10000x256xi32, #tpu.memory_space<hbm>>) target(%arg6 : memref<128x256xi32, #tpu.memory_space<vmem>>) offsets(%dma_start3A_125 : memref<128xi32, #tpu.memory_space<vmem>>) semaphore(%arg9 : memref<!tpu.dma_semaphore, #tpu.memory_space<semaphore_mem>>)
      %dma_wait3A_129 = arith.constant 0 : i32
      %dma_wait3A_130 = tpu.memref_slice %arg5[%add3A_76, %dma_wait3A_129] : memref<40x128xi32, #tpu.memory_space<vmem>> -> memref<1x128xi32, #tpu.memory_space<vmem>>
      %dma_wait3A_131 = tpu.memref_squeeze %dma_wait3A_130 : memref<1x128xi32, #tpu.memory_space<vmem>> -> memref<128xi32, #tpu.memory_space<vmem>>
      %dma_wait3A_132 = arith.constant 0 : i32
      %dma_wait3A_133 = arith.constant 0 : i32
      %dma_wait3A_134 = tpu.memref_slice %arg2[%dma_wait3A_132, %dma_wait3A_133] : memref<10000x256xi32, #tpu.memory_space<hbm>> -> memref<10000x256xi32, #tpu.memory_space<hbm>>
      tpu.wait_indirect_dma semaphore(%arg10 : memref<!tpu.dma_semaphore, #tpu.memory_space<semaphore_mem>>) src(%dma_wait3A_134 : memref<10000x256xi32, #tpu.memory_space<hbm>>) dst(%arg7 : memref<128x256xi32, #tpu.memory_space<vmem>>)
      %mul3A_135 = arith.constant 8 : i32
      %mul3A_136 = arith.muli %scan3A_8, %mul3A_135 : i32
      %add3A_137 = arith.addi %mul3A_2, %mul3A_136 : i32
      %add3A_138 = arith.constant 4 : i32
      %add3A_139 = arith.addi %add3A_137, %add3A_138 : i32
      %mul3A_140 = arith.constant 128 : i32
      %mul3A_141 = arith.muli %add3A_139, %mul3A_140 : i32
      "tpu.region"() ({
        %run_scoped3A = tpu.sem_alloc : memref<!tpu.dma_semaphore, #tpu.memory_space<semaphore_mem>>
        %dma_start3A_191 = arith.constant 0 : i32
        %dma_start3A_192 = tpu.memref_slice %arg4[%mul3A_141, %dma_start3A_191] : memref<163840x256xi32, #tpu.memory_space<hbm>> -> memref<128x256xi32, #tpu.memory_space<hbm>>
        %dma_start3A_193 = arith.constant 0 : i32
        %dma_start3A_194 = tpu.memref_slice %arg4[%mul3A_141, %dma_start3A_193] : memref<163840x256xi32, #tpu.memory_space<hbm>> -> memref<128x256xi32, #tpu.memory_space<hbm>>
        tpu.enqueue_dma source(%arg7 : memref<128x256xi32, #tpu.memory_space<vmem>>) target(%dma_start3A_194 : memref<128x256xi32, #tpu.memory_space<hbm>>) target_semaphore(%run_scoped3A : memref<!tpu.dma_semaphore, #tpu.memory_space<semaphore_mem>>)
        %dma_wait3A_195 = arith.constant 0 : i32
        %dma_wait3A_196 = tpu.memref_slice %arg4[%mul3A_141, %dma_wait3A_195] : memref<163840x256xi32, #tpu.memory_space<hbm>> -> memref<128x256xi32, #tpu.memory_space<hbm>>
        %dma_wait3A_197 = arith.constant 0 : i32
        %dma_wait3A_198 = tpu.memref_slice %arg4[%mul3A_141, %dma_wait3A_197] : memref<163840x256xi32, #tpu.memory_space<hbm>> -> memref<128x256xi32, #tpu.memory_space<hbm>>
        tpu.wait_dma2 semaphore(%run_scoped3A : memref<!tpu.dma_semaphore, #tpu.memory_space<semaphore_mem>>) src(%arg7 : memref<128x256xi32, #tpu.memory_space<vmem>>) dst(%dma_wait3A_198 : memref<128x256xi32, #tpu.memory_space<hbm>>)
        tpu.yield
      }) : () -> ()
      %mul3A_142 = arith.constant 8 : i32
      %mul3A_143 = arith.muli %scan3A_8, %mul3A_142 : i32
      %add3A_144 = arith.constant 7 : i32
      %add3A_145 = arith.addi %mul3A_143, %add3A_144 : i32
      %dma_start3A_146 = arith.constant 0 : i32
      %dma_start3A_147 = tpu.memref_slice %arg5[%add3A_145, %dma_start3A_146] : memref<40x128xi32, #tpu.memory_space<vmem>> -> memref<1x128xi32, #tpu.memory_space<vmem>>
      %dma_start3A_148 = tpu.memref_squeeze %dma_start3A_147 : memref<1x128xi32, #tpu.memory_space<vmem>> -> memref<128xi32, #tpu.memory_space<vmem>>
      %dma_start3A_149 = arith.constant 0 : i32
      %dma_start3A_150 = arith.constant 0 : i32
      %dma_start3A_151 = tpu.memref_slice %arg2[%dma_start3A_149, %dma_start3A_150] : memref<10000x256xi32, #tpu.memory_space<hbm>> -> memref<10000x256xi32, #tpu.memory_space<hbm>>
      tpu.enqueue_indirect_dma source(%dma_start3A_151 : memref<10000x256xi32, #tpu.memory_space<hbm>>) target(%arg7 : memref<128x256xi32, #tpu.memory_space<vmem>>) offsets(%dma_start3A_148 : memref<128xi32, #tpu.memory_space<vmem>>) semaphore(%arg10 : memref<!tpu.dma_semaphore, #tpu.memory_space<semaphore_mem>>)
      %dma_wait3A_152 = arith.constant 0 : i32
      %dma_wait3A_153 = tpu.memref_slice %arg5[%add3A_99, %dma_wait3A_152] : memref<40x128xi32, #tpu.memory_space<vmem>> -> memref<1x128xi32, #tpu.memory_space<vmem>>
      %dma_wait3A_154 = tpu.memref_squeeze %dma_wait3A_153 : memref<1x128xi32, #tpu.memory_space<vmem>> -> memref<128xi32, #tpu.memory_space<vmem>>
      %dma_wait3A_155 = arith.constant 0 : i32
      %dma_wait3A_156 = arith.constant 0 : i32
      %dma_wait3A_157 = tpu.memref_slice %arg2[%dma_wait3A_155, %dma_wait3A_156] : memref<10000x256xi32, #tpu.memory_space<hbm>> -> memref<10000x256xi32, #tpu.memory_space<hbm>>
      tpu.wait_indirect_dma semaphore(%arg11 : memref<!tpu.dma_semaphore, #tpu.memory_space<semaphore_mem>>) src(%dma_wait3A_157 : memref<10000x256xi32, #tpu.memory_space<hbm>>) dst(%arg8 : memref<128x256xi32, #tpu.memory_space<vmem>>)
      %mul3A_158 = arith.constant 8 : i32
      %mul3A_159 = arith.muli %scan3A_8, %mul3A_158 : i32
      %add3A_160 = arith.addi %mul3A_2, %mul3A_159 : i32
      %add3A_161 = arith.constant 5 : i32
      %add3A_162 = arith.addi %add3A_160, %add3A_161 : i32
      %mul3A_163 = arith.constant 128 : i32
      %mul3A_164 = arith.muli %add3A_162, %mul3A_163 : i32
      "tpu.region"() ({
        %run_scoped3A = tpu.sem_alloc : memref<!tpu.dma_semaphore, #tpu.memory_space<semaphore_mem>>
        %dma_start3A_191 = arith.constant 0 : i32
        %dma_start3A_192 = tpu.memref_slice %arg4[%mul3A_164, %dma_start3A_191] : memref<163840x256xi32, #tpu.memory_space<hbm>> -> memref<128x256xi32, #tpu.memory_space<hbm>>
        %dma_start3A_193 = arith.constant 0 : i32
        %dma_start3A_194 = tpu.memref_slice %arg4[%mul3A_164, %dma_start3A_193] : memref<163840x256xi32, #tpu.memory_space<hbm>> -> memref<128x256xi32, #tpu.memory_space<hbm>>
        tpu.enqueue_dma source(%arg8 : memref<128x256xi32, #tpu.memory_space<vmem>>) target(%dma_start3A_194 : memref<128x256xi32, #tpu.memory_space<hbm>>) target_semaphore(%run_scoped3A : memref<!tpu.dma_semaphore, #tpu.memory_space<semaphore_mem>>)
        %dma_wait3A_195 = arith.constant 0 : i32
        %dma_wait3A_196 = tpu.memref_slice %arg4[%mul3A_164, %dma_wait3A_195] : memref<163840x256xi32, #tpu.memory_space<hbm>> -> memref<128x256xi32, #tpu.memory_space<hbm>>
        %dma_wait3A_197 = arith.constant 0 : i32
        %dma_wait3A_198 = tpu.memref_slice %arg4[%mul3A_164, %dma_wait3A_197] : memref<163840x256xi32, #tpu.memory_space<hbm>> -> memref<128x256xi32, #tpu.memory_space<hbm>>
        tpu.wait_dma2 semaphore(%run_scoped3A : memref<!tpu.dma_semaphore, #tpu.memory_space<semaphore_mem>>) src(%arg8 : memref<128x256xi32, #tpu.memory_space<vmem>>) dst(%dma_wait3A_198 : memref<128x256xi32, #tpu.memory_space<hbm>>)
        tpu.yield
      }) : () -> ()
      %dma_wait3A_165 = arith.constant 0 : i32
      %dma_wait3A_166 = tpu.memref_slice %arg5[%add3A_122, %dma_wait3A_165] : memref<40x128xi32, #tpu.memory_space<vmem>> -> memref<1x128xi32, #tpu.memory_space<vmem>>
      %dma_wait3A_167 = tpu.memref_squeeze %dma_wait3A_166 : memref<1x128xi32, #tpu.memory_space<vmem>> -> memref<128xi32, #tpu.memory_space<vmem>>
      %dma_wait3A_168 = arith.constant 0 : i32
      %dma_wait3A_169 = arith.constant 0 : i32
      %dma_wait3A_170 = tpu.memref_slice %arg2[%dma_wait3A_168, %dma_wait3A_169] : memref<10000x256xi32, #tpu.memory_space<hbm>> -> memref<10000x256xi32, #tpu.memory_space<hbm>>
      tpu.wait_indirect_dma semaphore(%arg9 : memref<!tpu.dma_semaphore, #tpu.memory_space<semaphore_mem>>) src(%dma_wait3A_170 : memref<10000x256xi32, #tpu.memory_space<hbm>>) dst(%arg6 : memref<128x256xi32, #tpu.memory_space<vmem>>)
      %mul3A_171 = arith.constant 8 : i32
      %mul3A_172 = arith.muli %scan3A_8, %mul3A_171 : i32
      %add3A_173 = arith.addi %mul3A_2, %mul3A_172 : i32
      %add3A_174 = arith.constant 6 : i32
      %add3A_175 = arith.addi %add3A_173, %add3A_174 : i32
      %mul3A_176 = arith.constant 128 : i32
      %mul3A_177 = arith.muli %add3A_175, %mul3A_176 : i32
      "tpu.region"() ({
        %run_scoped3A = tpu.sem_alloc : memref<!tpu.dma_semaphore, #tpu.memory_space<semaphore_mem>>
        %dma_start3A_191 = arith.constant 0 : i32
        %dma_start3A_192 = tpu.memref_slice %arg4[%mul3A_177, %dma_start3A_191] : memref<163840x256xi32, #tpu.memory_space<hbm>> -> memref<128x256xi32, #tpu.memory_space<hbm>>
        %dma_start3A_193 = arith.constant 0 : i32
        %dma_start3A_194 = tpu.memref_slice %arg4[%mul3A_177, %dma_start3A_193] : memref<163840x256xi32, #tpu.memory_space<hbm>> -> memref<128x256xi32, #tpu.memory_space<hbm>>
        tpu.enqueue_dma source(%arg6 : memref<128x256xi32, #tpu.memory_space<vmem>>) target(%dma_start3A_194 : memref<128x256xi32, #tpu.memory_space<hbm>>) target_semaphore(%run_scoped3A : memref<!tpu.dma_semaphore, #tpu.memory_space<semaphore_mem>>)
        %dma_wait3A_195 = arith.constant 0 : i32
        %dma_wait3A_196 = tpu.memref_slice %arg4[%mul3A_177, %dma_wait3A_195] : memref<163840x256xi32, #tpu.memory_space<hbm>> -> memref<128x256xi32, #tpu.memory_space<hbm>>
        %dma_wait3A_197 = arith.constant 0 : i32
        %dma_wait3A_198 = tpu.memref_slice %arg4[%mul3A_177, %dma_wait3A_197] : memref<163840x256xi32, #tpu.memory_space<hbm>> -> memref<128x256xi32, #tpu.memory_space<hbm>>
        tpu.wait_dma2 semaphore(%run_scoped3A : memref<!tpu.dma_semaphore, #tpu.memory_space<semaphore_mem>>) src(%arg6 : memref<128x256xi32, #tpu.memory_space<vmem>>) dst(%dma_wait3A_198 : memref<128x256xi32, #tpu.memory_space<hbm>>)
        tpu.yield
      }) : () -> ()
      %dma_wait3A_178 = arith.constant 0 : i32
      %dma_wait3A_179 = tpu.memref_slice %arg5[%add3A_145, %dma_wait3A_178] : memref<40x128xi32, #tpu.memory_space<vmem>> -> memref<1x128xi32, #tpu.memory_space<vmem>>
      %dma_wait3A_180 = tpu.memref_squeeze %dma_wait3A_179 : memref<1x128xi32, #tpu.memory_space<vmem>> -> memref<128xi32, #tpu.memory_space<vmem>>
      %dma_wait3A_181 = arith.constant 0 : i32
      %dma_wait3A_182 = arith.constant 0 : i32
      %dma_wait3A_183 = tpu.memref_slice %arg2[%dma_wait3A_181, %dma_wait3A_182] : memref<10000x256xi32, #tpu.memory_space<hbm>> -> memref<10000x256xi32, #tpu.memory_space<hbm>>
      tpu.wait_indirect_dma semaphore(%arg10 : memref<!tpu.dma_semaphore, #tpu.memory_space<semaphore_mem>>) src(%dma_wait3A_183 : memref<10000x256xi32, #tpu.memory_space<hbm>>) dst(%arg7 : memref<128x256xi32, #tpu.memory_space<vmem>>)
      %mul3A_184 = arith.constant 8 : i32
      %mul3A_185 = arith.muli %scan3A_8, %mul3A_184 : i32
      %add3A_186 = arith.addi %mul3A_2, %mul3A_185 : i32
      %add3A_187 = arith.constant 7 : i32
      %add3A_188 = arith.addi %add3A_186, %add3A_187 : i32
      %mul3A_189 = arith.constant 128 : i32
      %mul3A_190 = arith.muli %add3A_188, %mul3A_189 : i32
      "tpu.region"() ({
        %run_scoped3A = tpu.sem_alloc : memref<!tpu.dma_semaphore, #tpu.memory_space<semaphore_mem>>
        %dma_start3A_191 = arith.constant 0 : i32
        %dma_start3A_192 = tpu.memref_slice %arg4[%mul3A_190, %dma_start3A_191] : memref<163840x256xi32, #tpu.memory_space<hbm>> -> memref<128x256xi32, #tpu.memory_space<hbm>>
        %dma_start3A_193 = arith.constant 0 : i32
        %dma_start3A_194 = tpu.memref_slice %arg4[%mul3A_190, %dma_start3A_193] : memref<163840x256xi32, #tpu.memory_space<hbm>> -> memref<128x256xi32, #tpu.memory_space<hbm>>
        tpu.enqueue_dma source(%arg7 : memref<128x256xi32, #tpu.memory_space<vmem>>) target(%dma_start3A_194 : memref<128x256xi32, #tpu.memory_space<hbm>>) target_semaphore(%run_scoped3A : memref<!tpu.dma_semaphore, #tpu.memory_space<semaphore_mem>>)
        %dma_wait3A_195 = arith.constant 0 : i32
        %dma_wait3A_196 = tpu.memref_slice %arg4[%mul3A_190, %dma_wait3A_195] : memref<163840x256xi32, #tpu.memory_space<hbm>> -> memref<128x256xi32, #tpu.memory_space<hbm>>
        %dma_wait3A_197 = arith.constant 0 : i32
        %dma_wait3A_198 = tpu.memref_slice %arg4[%mul3A_190, %dma_wait3A_197] : memref<163840x256xi32, #tpu.memory_space<hbm>> -> memref<128x256xi32, #tpu.memory_space<hbm>>
        tpu.wait_dma2 semaphore(%run_scoped3A : memref<!tpu.dma_semaphore, #tpu.memory_space<semaphore_mem>>) src(%arg7 : memref<128x256xi32, #tpu.memory_space<vmem>>) dst(%dma_wait3A_198 : memref<128x256xi32, #tpu.memory_space<hbm>>)
        tpu.yield
      }) : () -> ()
    }
    %scan3A_7 = arith.constant 5 : i32
    return
  }
}

module attributes {stable_mosaic.version = 14 : i64} {
  func.func @_knn_body(%arg0: i32, %arg1: memref<256x8xf32, #tpu.memory_space<vmem>>, %arg2: memref<8x10240xf32, #tpu.memory_space<vmem>>, %arg3: memref<256x16xi32, #tpu.memory_space<vmem>>) attributes {dimension_semantics = [#tpu.dimension_semantics<arbitrary>], iteration_bounds = array<i64: 40>, scalar_prefetch = 0 : i64, scratch_operands = 0 : i64, tpu.core_type = #tpu.core_type<tc>, window_params = [{transform_indices = @transform_0, window_bounds = array<i64: 256, 8>}, {pipeline_mode = #tpu.pipeline_mode<synchronous>, transform_indices = @transform_1, window_bounds = array<i64: 8, 10240>}, {transform_indices = @transform_2, window_bounds = array<i64: 256, 16>}]} {
    %get3A = arith.constant 0 : index
    %get3A_0 = arith.constant 0 : index
    %get3A_1 = vector.load %arg1[%get3A, %get3A_0] : memref<256x8xf32, #tpu.memory_space<vmem>>, vector<256x8xf32>
    %get3A_2 = arith.constant 0 : index
    %get3A_3 = arith.constant 0 : index
    %get3A_4 = vector.load %arg2[%get3A_2, %get3A_3] : memref<8x10240xf32, #tpu.memory_space<vmem>>, vector<8x10240xf32>
    %dot_general3A = arith.constant dense<0.000000e+00> : vector<256x10240xf32>
    %dot_general3A_5 = tpu.matmul %get3A_1, %get3A_4, %dot_general3A {dimension_numbers = #tpu.dot_dimension_numbers<[1], [0], [0], [1], [0, 0, 1, 1], [], []>, transpose_lhs_hint = false} : vector<256x8xf32>, vector<8x10240xf32>, vector<256x10240xf32> -> vector<256x10240xf32>
    %mul3A = arith.mulf %get3A_1, %get3A_1 : vector<256x8xf32>
    %reduce_sum3A = arith.constant dense<0.000000e+00> : vector<256xf32>
    %reduce_sum3A_6 = vector.multi_reduction <add>, %mul3A, %reduce_sum3A [1] : vector<256x8xf32> to vector<256xf32>
    %broadcast_in_dim3A = vector.shape_cast %reduce_sum3A_6 : vector<256xf32> to vector<256x1xf32>
    %mul3A_7 = arith.mulf %get3A_4, %get3A_4 : vector<8x10240xf32>
    %reduce_sum3A_8 = arith.constant dense<0.000000e+00> : vector<10240xf32>
    %reduce_sum3A_9 = vector.multi_reduction <add>, %mul3A_7, %reduce_sum3A_8 [0] : vector<8x10240xf32> to vector<10240xf32>
    %broadcast_in_dim3A_10 = vector.shape_cast %reduce_sum3A_9 : vector<10240xf32> to vector<1x10240xf32>
    %add3A = vector.broadcast %broadcast_in_dim3A : vector<256x1xf32> to vector<256x10240xf32>
    %add3A_11 = vector.broadcast %broadcast_in_dim3A_10 : vector<1x10240xf32> to vector<256x10240xf32>
    %add3A_12 = arith.addf %add3A, %add3A_11 : vector<256x10240xf32>
    %mul3A_13 = arith.constant 2.000000e+00 : f32
    %mul3A_14 = vector.broadcast %mul3A_13 : f32 to vector<256x10240xf32>
    %mul3A_15 = arith.mulf %mul3A_14, %dot_general3A_5 : vector<256x10240xf32>
    %sub3A = arith.subf %add3A_12, %mul3A_15 : vector<256x10240xf32>
    %reshape3A = vector.shape_cast %sub3A : vector<256x10240xf32> to vector<256x80x128xf32>
    %iota3A = tpu.iota {dimensions = array<i32: 1>} : vector<256x80x128xi32>
    %iota3A_16 = tpu.iota {dimensions = array<i32: 2>} : vector<256x1x128xi32>
    %reduce_min3A = arith.constant dense<0x7F800000> : vector<256x128xf32>
    %reduce_min3A_17 = vector.multi_reduction <minimumf>, %reshape3A, %reduce_min3A [1] : vector<256x80x128xf32> to vector<256x128xf32>
    %broadcast_in_dim3A_18 = vector.shape_cast %reduce_min3A_17 : vector<256x128xf32> to vector<256x1x128xf32>
    %eq3A = vector.broadcast %broadcast_in_dim3A_18 : vector<256x1x128xf32> to vector<256x80x128xf32>
    %eq3A_19 = arith.cmpf oeq, %reshape3A, %eq3A : vector<256x80x128xf32>
    %jit3A = arith.constant 80 : i32
    %broadcast_in_dim3A_20 = vector.broadcast %jit3A : i32 to vector<256x80x128xi32>
    %select_n3A = arith.select %eq3A_19, %iota3A, %broadcast_in_dim3A_20 : vector<256x80x128xi1>, vector<256x80x128xi32>
    %reduce_min3A_21 = arith.constant dense<2147483647> : vector<256x128xi32>
    %reduce_min3A_22 = vector.multi_reduction <minsi>, %select_n3A, %reduce_min3A_21 [1] : vector<256x80x128xi32> to vector<256x128xi32>
    %broadcast_in_dim3A_23 = vector.shape_cast %reduce_min3A_22 : vector<256x128xi32> to vector<256x1x128xi32>
    %mul3A_24 = arith.constant 128 : i32
    %mul3A_25 = vector.broadcast %mul3A_24 : i32 to vector<256x1x128xi32>
    %mul3A_26 = arith.muli %broadcast_in_dim3A_23, %mul3A_25 : vector<256x1x128xi32>
    %add3A_27 = arith.addi %mul3A_26, %iota3A_16 : vector<256x1x128xi32>
    %eq3A_28 = vector.broadcast %broadcast_in_dim3A_23 : vector<256x1x128xi32> to vector<256x80x128xi32>
    %eq3A_29 = arith.cmpi eq, %iota3A, %eq3A_28 : vector<256x80x128xi32>
    %jit3A_30 = arith.constant 0x7F800000 : f32
    %broadcast_in_dim3A_31 = vector.broadcast %jit3A_30 : f32 to vector<256x80x128xf32>
    %select_n3A_32 = arith.select %eq3A_29, %broadcast_in_dim3A_31, %reshape3A : vector<256x80x128xi1>, vector<256x80x128xf32>
    %reduce_min3A_33 = arith.constant dense<0x7F800000> : vector<256x128xf32>
    %reduce_min3A_34 = vector.multi_reduction <minimumf>, %select_n3A_32, %reduce_min3A_33 [1] : vector<256x80x128xf32> to vector<256x128xf32>
    %broadcast_in_dim3A_35 = vector.shape_cast %reduce_min3A_34 : vector<256x128xf32> to vector<256x1x128xf32>
    %eq3A_36 = vector.broadcast %broadcast_in_dim3A_35 : vector<256x1x128xf32> to vector<256x80x128xf32>
    %eq3A_37 = arith.cmpf oeq, %select_n3A_32, %eq3A_36 : vector<256x80x128xf32>
    %jit3A_38 = arith.constant 80 : i32
    %broadcast_in_dim3A_39 = vector.broadcast %jit3A_38 : i32 to vector<256x80x128xi32>
    %select_n3A_40 = arith.select %eq3A_37, %iota3A, %broadcast_in_dim3A_39 : vector<256x80x128xi1>, vector<256x80x128xi32>
    %reduce_min3A_41 = arith.constant dense<2147483647> : vector<256x128xi32>
    %reduce_min3A_42 = vector.multi_reduction <minsi>, %select_n3A_40, %reduce_min3A_41 [1] : vector<256x80x128xi32> to vector<256x128xi32>
    %broadcast_in_dim3A_43 = vector.shape_cast %reduce_min3A_42 : vector<256x128xi32> to vector<256x1x128xi32>
    %mul3A_44 = arith.constant 128 : i32
    %mul3A_45 = vector.broadcast %mul3A_44 : i32 to vector<256x1x128xi32>
    %mul3A_46 = arith.muli %broadcast_in_dim3A_43, %mul3A_45 : vector<256x1x128xi32>
    %add3A_47 = arith.addi %mul3A_46, %iota3A_16 : vector<256x1x128xi32>
    %eq3A_48 = vector.broadcast %broadcast_in_dim3A_43 : vector<256x1x128xi32> to vector<256x80x128xi32>
    %eq3A_49 = arith.cmpi eq, %iota3A, %eq3A_48 : vector<256x80x128xi32>
    %jit3A_50 = arith.constant 0x7F800000 : f32
    %broadcast_in_dim3A_51 = vector.broadcast %jit3A_50 : f32 to vector<256x80x128xf32>
    %select_n3A_52 = arith.select %eq3A_49, %broadcast_in_dim3A_51, %select_n3A_32 : vector<256x80x128xi1>, vector<256x80x128xf32>
    %reduce_min3A_53 = arith.constant dense<0x7F800000> : vector<256x128xf32>
    %reduce_min3A_54 = vector.multi_reduction <minimumf>, %select_n3A_52, %reduce_min3A_53 [1] : vector<256x80x128xf32> to vector<256x128xf32>
    %broadcast_in_dim3A_55 = vector.shape_cast %reduce_min3A_54 : vector<256x128xf32> to vector<256x1x128xf32>
    %eq3A_56 = vector.broadcast %broadcast_in_dim3A_55 : vector<256x1x128xf32> to vector<256x80x128xf32>
    %eq3A_57 = arith.cmpf oeq, %select_n3A_52, %eq3A_56 : vector<256x80x128xf32>
    %jit3A_58 = arith.constant 80 : i32
    %broadcast_in_dim3A_59 = vector.broadcast %jit3A_58 : i32 to vector<256x80x128xi32>
    %select_n3A_60 = arith.select %eq3A_57, %iota3A, %broadcast_in_dim3A_59 : vector<256x80x128xi1>, vector<256x80x128xi32>
    %reduce_min3A_61 = arith.constant dense<2147483647> : vector<256x128xi32>
    %reduce_min3A_62 = vector.multi_reduction <minsi>, %select_n3A_60, %reduce_min3A_61 [1] : vector<256x80x128xi32> to vector<256x128xi32>
    %broadcast_in_dim3A_63 = vector.shape_cast %reduce_min3A_62 : vector<256x128xi32> to vector<256x1x128xi32>
    %mul3A_64 = arith.constant 128 : i32
    %mul3A_65 = vector.broadcast %mul3A_64 : i32 to vector<256x1x128xi32>
    %mul3A_66 = arith.muli %broadcast_in_dim3A_63, %mul3A_65 : vector<256x1x128xi32>
    %add3A_67 = arith.addi %mul3A_66, %iota3A_16 : vector<256x1x128xi32>
    %concatenate3A = tpu.concatenate %broadcast_in_dim3A_18, %broadcast_in_dim3A_35, %broadcast_in_dim3A_55 in 1 : vector<256x1x128xf32>, vector<256x1x128xf32>, vector<256x1x128xf32> -> vector<256x3x128xf32>
    %reshape3A_68 = vector.shape_cast %concatenate3A : vector<256x3x128xf32> to vector<256x384xf32>
    %concatenate3A_69 = tpu.concatenate %add3A_27, %add3A_47, %add3A_67 in 1 : vector<256x1x128xi32>, vector<256x1x128xi32>, vector<256x1x128xi32> -> vector<256x3x128xi32>
    %reshape3A_70 = vector.shape_cast %concatenate3A_69 : vector<256x3x128xi32> to vector<256x384xi32>
    %reduce_min3A_71 = arith.constant dense<0x7F800000> : vector<256xf32>
    %reduce_min3A_72 = vector.multi_reduction <minimumf>, %reshape3A_68, %reduce_min3A_71 [1] : vector<256x384xf32> to vector<256xf32>
    %broadcast_in_dim3A_73 = vector.shape_cast %reduce_min3A_72 : vector<256xf32> to vector<256x1xf32>
    %eq3A_74 = vector.broadcast %broadcast_in_dim3A_73 : vector<256x1xf32> to vector<256x384xf32>
    %eq3A_75 = arith.cmpf oeq, %reshape3A_68, %eq3A_74 : vector<256x384xf32>
    %jit3A_76 = arith.constant 10240 : i32
    %broadcast_in_dim3A_77 = vector.broadcast %jit3A_76 : i32 to vector<256x384xi32>
    %select_n3A_78 = arith.select %eq3A_75, %reshape3A_70, %broadcast_in_dim3A_77 : vector<256x384xi1>, vector<256x384xi32>
    %reduce_min3A_79 = arith.constant dense<2147483647> : vector<256xi32>
    %reduce_min3A_80 = vector.multi_reduction <minsi>, %select_n3A_78, %reduce_min3A_79 [1] : vector<256x384xi32> to vector<256xi32>
    %broadcast_in_dim3A_81 = vector.shape_cast %reduce_min3A_80 : vector<256xi32> to vector<256x1xi32>
    %eq3A_82 = vector.broadcast %broadcast_in_dim3A_81 : vector<256x1xi32> to vector<256x384xi32>
    %eq3A_83 = arith.cmpi eq, %reshape3A_70, %eq3A_82 : vector<256x384xi32>
    %jit3A_84 = arith.constant 0x7F800000 : f32
    %broadcast_in_dim3A_85 = vector.broadcast %jit3A_84 : f32 to vector<256x384xf32>
    %select_n3A_86 = arith.select %eq3A_83, %broadcast_in_dim3A_85, %reshape3A_68 : vector<256x384xi1>, vector<256x384xf32>
    %reduce_min3A_87 = arith.constant dense<0x7F800000> : vector<256xf32>
    %reduce_min3A_88 = vector.multi_reduction <minimumf>, %select_n3A_86, %reduce_min3A_87 [1] : vector<256x384xf32> to vector<256xf32>
    %broadcast_in_dim3A_89 = vector.shape_cast %reduce_min3A_88 : vector<256xf32> to vector<256x1xf32>
    %eq3A_90 = vector.broadcast %broadcast_in_dim3A_89 : vector<256x1xf32> to vector<256x384xf32>
    %eq3A_91 = arith.cmpf oeq, %select_n3A_86, %eq3A_90 : vector<256x384xf32>
    %jit3A_92 = arith.constant 10240 : i32
    %broadcast_in_dim3A_93 = vector.broadcast %jit3A_92 : i32 to vector<256x384xi32>
    %select_n3A_94 = arith.select %eq3A_91, %reshape3A_70, %broadcast_in_dim3A_93 : vector<256x384xi1>, vector<256x384xi32>
    %reduce_min3A_95 = arith.constant dense<2147483647> : vector<256xi32>
    %reduce_min3A_96 = vector.multi_reduction <minsi>, %select_n3A_94, %reduce_min3A_95 [1] : vector<256x384xi32> to vector<256xi32>
    %broadcast_in_dim3A_97 = vector.shape_cast %reduce_min3A_96 : vector<256xi32> to vector<256x1xi32>
    %eq3A_98 = vector.broadcast %broadcast_in_dim3A_97 : vector<256x1xi32> to vector<256x384xi32>
    %eq3A_99 = arith.cmpi eq, %reshape3A_70, %eq3A_98 : vector<256x384xi32>
    %jit3A_100 = arith.constant 0x7F800000 : f32
    %broadcast_in_dim3A_101 = vector.broadcast %jit3A_100 : f32 to vector<256x384xf32>
    %select_n3A_102 = arith.select %eq3A_99, %broadcast_in_dim3A_101, %select_n3A_86 : vector<256x384xi1>, vector<256x384xf32>
    %reduce_min3A_103 = arith.constant dense<0x7F800000> : vector<256xf32>
    %reduce_min3A_104 = vector.multi_reduction <minimumf>, %select_n3A_102, %reduce_min3A_103 [1] : vector<256x384xf32> to vector<256xf32>
    %broadcast_in_dim3A_105 = vector.shape_cast %reduce_min3A_104 : vector<256xf32> to vector<256x1xf32>
    %eq3A_106 = vector.broadcast %broadcast_in_dim3A_105 : vector<256x1xf32> to vector<256x384xf32>
    %eq3A_107 = arith.cmpf oeq, %select_n3A_102, %eq3A_106 : vector<256x384xf32>
    %jit3A_108 = arith.constant 10240 : i32
    %broadcast_in_dim3A_109 = vector.broadcast %jit3A_108 : i32 to vector<256x384xi32>
    %select_n3A_110 = arith.select %eq3A_107, %reshape3A_70, %broadcast_in_dim3A_109 : vector<256x384xi1>, vector<256x384xi32>
    %reduce_min3A_111 = arith.constant dense<2147483647> : vector<256xi32>
    %reduce_min3A_112 = vector.multi_reduction <minsi>, %select_n3A_110, %reduce_min3A_111 [1] : vector<256x384xi32> to vector<256xi32>
    %broadcast_in_dim3A_113 = vector.shape_cast %reduce_min3A_112 : vector<256xi32> to vector<256x1xi32>
    %eq3A_114 = vector.broadcast %broadcast_in_dim3A_113 : vector<256x1xi32> to vector<256x384xi32>
    %eq3A_115 = arith.cmpi eq, %reshape3A_70, %eq3A_114 : vector<256x384xi32>
    %jit3A_116 = arith.constant 0x7F800000 : f32
    %broadcast_in_dim3A_117 = vector.broadcast %jit3A_116 : f32 to vector<256x384xf32>
    %select_n3A_118 = arith.select %eq3A_115, %broadcast_in_dim3A_117, %select_n3A_102 : vector<256x384xi1>, vector<256x384xf32>
    %reduce_min3A_119 = arith.constant dense<0x7F800000> : vector<256xf32>
    %reduce_min3A_120 = vector.multi_reduction <minimumf>, %select_n3A_118, %reduce_min3A_119 [1] : vector<256x384xf32> to vector<256xf32>
    %broadcast_in_dim3A_121 = vector.shape_cast %reduce_min3A_120 : vector<256xf32> to vector<256x1xf32>
    %eq3A_122 = vector.broadcast %broadcast_in_dim3A_121 : vector<256x1xf32> to vector<256x384xf32>
    %eq3A_123 = arith.cmpf oeq, %select_n3A_118, %eq3A_122 : vector<256x384xf32>
    %jit3A_124 = arith.constant 10240 : i32
    %broadcast_in_dim3A_125 = vector.broadcast %jit3A_124 : i32 to vector<256x384xi32>
    %select_n3A_126 = arith.select %eq3A_123, %reshape3A_70, %broadcast_in_dim3A_125 : vector<256x384xi1>, vector<256x384xi32>
    %reduce_min3A_127 = arith.constant dense<2147483647> : vector<256xi32>
    %reduce_min3A_128 = vector.multi_reduction <minsi>, %select_n3A_126, %reduce_min3A_127 [1] : vector<256x384xi32> to vector<256xi32>
    %broadcast_in_dim3A_129 = vector.shape_cast %reduce_min3A_128 : vector<256xi32> to vector<256x1xi32>
    %eq3A_130 = vector.broadcast %broadcast_in_dim3A_129 : vector<256x1xi32> to vector<256x384xi32>
    %eq3A_131 = arith.cmpi eq, %reshape3A_70, %eq3A_130 : vector<256x384xi32>
    %jit3A_132 = arith.constant 0x7F800000 : f32
    %broadcast_in_dim3A_133 = vector.broadcast %jit3A_132 : f32 to vector<256x384xf32>
    %select_n3A_134 = arith.select %eq3A_131, %broadcast_in_dim3A_133, %select_n3A_118 : vector<256x384xi1>, vector<256x384xf32>
    %reduce_min3A_135 = arith.constant dense<0x7F800000> : vector<256xf32>
    %reduce_min3A_136 = vector.multi_reduction <minimumf>, %select_n3A_134, %reduce_min3A_135 [1] : vector<256x384xf32> to vector<256xf32>
    %broadcast_in_dim3A_137 = vector.shape_cast %reduce_min3A_136 : vector<256xf32> to vector<256x1xf32>
    %eq3A_138 = vector.broadcast %broadcast_in_dim3A_137 : vector<256x1xf32> to vector<256x384xf32>
    %eq3A_139 = arith.cmpf oeq, %select_n3A_134, %eq3A_138 : vector<256x384xf32>
    %jit3A_140 = arith.constant 10240 : i32
    %broadcast_in_dim3A_141 = vector.broadcast %jit3A_140 : i32 to vector<256x384xi32>
    %select_n3A_142 = arith.select %eq3A_139, %reshape3A_70, %broadcast_in_dim3A_141 : vector<256x384xi1>, vector<256x384xi32>
    %reduce_min3A_143 = arith.constant dense<2147483647> : vector<256xi32>
    %reduce_min3A_144 = vector.multi_reduction <minsi>, %select_n3A_142, %reduce_min3A_143 [1] : vector<256x384xi32> to vector<256xi32>
    %broadcast_in_dim3A_145 = vector.shape_cast %reduce_min3A_144 : vector<256xi32> to vector<256x1xi32>
    %eq3A_146 = vector.broadcast %broadcast_in_dim3A_145 : vector<256x1xi32> to vector<256x384xi32>
    %eq3A_147 = arith.cmpi eq, %reshape3A_70, %eq3A_146 : vector<256x384xi32>
    %jit3A_148 = arith.constant 0x7F800000 : f32
    %broadcast_in_dim3A_149 = vector.broadcast %jit3A_148 : f32 to vector<256x384xf32>
    %select_n3A_150 = arith.select %eq3A_147, %broadcast_in_dim3A_149, %select_n3A_134 : vector<256x384xi1>, vector<256x384xf32>
    %reduce_min3A_151 = arith.constant dense<0x7F800000> : vector<256xf32>
    %reduce_min3A_152 = vector.multi_reduction <minimumf>, %select_n3A_150, %reduce_min3A_151 [1] : vector<256x384xf32> to vector<256xf32>
    %broadcast_in_dim3A_153 = vector.shape_cast %reduce_min3A_152 : vector<256xf32> to vector<256x1xf32>
    %eq3A_154 = vector.broadcast %broadcast_in_dim3A_153 : vector<256x1xf32> to vector<256x384xf32>
    %eq3A_155 = arith.cmpf oeq, %select_n3A_150, %eq3A_154 : vector<256x384xf32>
    %jit3A_156 = arith.constant 10240 : i32
    %broadcast_in_dim3A_157 = vector.broadcast %jit3A_156 : i32 to vector<256x384xi32>
    %select_n3A_158 = arith.select %eq3A_155, %reshape3A_70, %broadcast_in_dim3A_157 : vector<256x384xi1>, vector<256x384xi32>
    %reduce_min3A_159 = arith.constant dense<2147483647> : vector<256xi32>
    %reduce_min3A_160 = vector.multi_reduction <minsi>, %select_n3A_158, %reduce_min3A_159 [1] : vector<256x384xi32> to vector<256xi32>
    %broadcast_in_dim3A_161 = vector.shape_cast %reduce_min3A_160 : vector<256xi32> to vector<256x1xi32>
    %eq3A_162 = vector.broadcast %broadcast_in_dim3A_161 : vector<256x1xi32> to vector<256x384xi32>
    %eq3A_163 = arith.cmpi eq, %reshape3A_70, %eq3A_162 : vector<256x384xi32>
    %jit3A_164 = arith.constant 0x7F800000 : f32
    %broadcast_in_dim3A_165 = vector.broadcast %jit3A_164 : f32 to vector<256x384xf32>
    %select_n3A_166 = arith.select %eq3A_163, %broadcast_in_dim3A_165, %select_n3A_150 : vector<256x384xi1>, vector<256x384xf32>
    %reduce_min3A_167 = arith.constant dense<0x7F800000> : vector<256xf32>
    %reduce_min3A_168 = vector.multi_reduction <minimumf>, %select_n3A_166, %reduce_min3A_167 [1] : vector<256x384xf32> to vector<256xf32>
    %broadcast_in_dim3A_169 = vector.shape_cast %reduce_min3A_168 : vector<256xf32> to vector<256x1xf32>
    %eq3A_170 = vector.broadcast %broadcast_in_dim3A_169 : vector<256x1xf32> to vector<256x384xf32>
    %eq3A_171 = arith.cmpf oeq, %select_n3A_166, %eq3A_170 : vector<256x384xf32>
    %jit3A_172 = arith.constant 10240 : i32
    %broadcast_in_dim3A_173 = vector.broadcast %jit3A_172 : i32 to vector<256x384xi32>
    %select_n3A_174 = arith.select %eq3A_171, %reshape3A_70, %broadcast_in_dim3A_173 : vector<256x384xi1>, vector<256x384xi32>
    %reduce_min3A_175 = arith.constant dense<2147483647> : vector<256xi32>
    %reduce_min3A_176 = vector.multi_reduction <minsi>, %select_n3A_174, %reduce_min3A_175 [1] : vector<256x384xi32> to vector<256xi32>
    %broadcast_in_dim3A_177 = vector.shape_cast %reduce_min3A_176 : vector<256xi32> to vector<256x1xi32>
    %eq3A_178 = vector.broadcast %broadcast_in_dim3A_177 : vector<256x1xi32> to vector<256x384xi32>
    %eq3A_179 = arith.cmpi eq, %reshape3A_70, %eq3A_178 : vector<256x384xi32>
    %jit3A_180 = arith.constant 0x7F800000 : f32
    %broadcast_in_dim3A_181 = vector.broadcast %jit3A_180 : f32 to vector<256x384xf32>
    %select_n3A_182 = arith.select %eq3A_179, %broadcast_in_dim3A_181, %select_n3A_166 : vector<256x384xi1>, vector<256x384xf32>
    %reduce_min3A_183 = arith.constant dense<0x7F800000> : vector<256xf32>
    %reduce_min3A_184 = vector.multi_reduction <minimumf>, %select_n3A_182, %reduce_min3A_183 [1] : vector<256x384xf32> to vector<256xf32>
    %broadcast_in_dim3A_185 = vector.shape_cast %reduce_min3A_184 : vector<256xf32> to vector<256x1xf32>
    %eq3A_186 = vector.broadcast %broadcast_in_dim3A_185 : vector<256x1xf32> to vector<256x384xf32>
    %eq3A_187 = arith.cmpf oeq, %select_n3A_182, %eq3A_186 : vector<256x384xf32>
    %jit3A_188 = arith.constant 10240 : i32
    %broadcast_in_dim3A_189 = vector.broadcast %jit3A_188 : i32 to vector<256x384xi32>
    %select_n3A_190 = arith.select %eq3A_187, %reshape3A_70, %broadcast_in_dim3A_189 : vector<256x384xi1>, vector<256x384xi32>
    %reduce_min3A_191 = arith.constant dense<2147483647> : vector<256xi32>
    %reduce_min3A_192 = vector.multi_reduction <minsi>, %select_n3A_190, %reduce_min3A_191 [1] : vector<256x384xi32> to vector<256xi32>
    %broadcast_in_dim3A_193 = vector.shape_cast %reduce_min3A_192 : vector<256xi32> to vector<256x1xi32>
    %eq3A_194 = vector.broadcast %broadcast_in_dim3A_193 : vector<256x1xi32> to vector<256x384xi32>
    %eq3A_195 = arith.cmpi eq, %reshape3A_70, %eq3A_194 : vector<256x384xi32>
    %jit3A_196 = arith.constant 0x7F800000 : f32
    %broadcast_in_dim3A_197 = vector.broadcast %jit3A_196 : f32 to vector<256x384xf32>
    %select_n3A_198 = arith.select %eq3A_195, %broadcast_in_dim3A_197, %select_n3A_182 : vector<256x384xi1>, vector<256x384xf32>
    %reduce_min3A_199 = arith.constant dense<0x7F800000> : vector<256xf32>
    %reduce_min3A_200 = vector.multi_reduction <minimumf>, %select_n3A_198, %reduce_min3A_199 [1] : vector<256x384xf32> to vector<256xf32>
    %broadcast_in_dim3A_201 = vector.shape_cast %reduce_min3A_200 : vector<256xf32> to vector<256x1xf32>
    %eq3A_202 = vector.broadcast %broadcast_in_dim3A_201 : vector<256x1xf32> to vector<256x384xf32>
    %eq3A_203 = arith.cmpf oeq, %select_n3A_198, %eq3A_202 : vector<256x384xf32>
    %jit3A_204 = arith.constant 10240 : i32
    %broadcast_in_dim3A_205 = vector.broadcast %jit3A_204 : i32 to vector<256x384xi32>
    %select_n3A_206 = arith.select %eq3A_203, %reshape3A_70, %broadcast_in_dim3A_205 : vector<256x384xi1>, vector<256x384xi32>
    %reduce_min3A_207 = arith.constant dense<2147483647> : vector<256xi32>
    %reduce_min3A_208 = vector.multi_reduction <minsi>, %select_n3A_206, %reduce_min3A_207 [1] : vector<256x384xi32> to vector<256xi32>
    %broadcast_in_dim3A_209 = vector.shape_cast %reduce_min3A_208 : vector<256xi32> to vector<256x1xi32>
    %eq3A_210 = vector.broadcast %broadcast_in_dim3A_209 : vector<256x1xi32> to vector<256x384xi32>
    %eq3A_211 = arith.cmpi eq, %reshape3A_70, %eq3A_210 : vector<256x384xi32>
    %jit3A_212 = arith.constant 0x7F800000 : f32
    %broadcast_in_dim3A_213 = vector.broadcast %jit3A_212 : f32 to vector<256x384xf32>
    %select_n3A_214 = arith.select %eq3A_211, %broadcast_in_dim3A_213, %select_n3A_198 : vector<256x384xi1>, vector<256x384xf32>
    %reduce_min3A_215 = arith.constant dense<0x7F800000> : vector<256xf32>
    %reduce_min3A_216 = vector.multi_reduction <minimumf>, %select_n3A_214, %reduce_min3A_215 [1] : vector<256x384xf32> to vector<256xf32>
    %broadcast_in_dim3A_217 = vector.shape_cast %reduce_min3A_216 : vector<256xf32> to vector<256x1xf32>
    %eq3A_218 = vector.broadcast %broadcast_in_dim3A_217 : vector<256x1xf32> to vector<256x384xf32>
    %eq3A_219 = arith.cmpf oeq, %select_n3A_214, %eq3A_218 : vector<256x384xf32>
    %jit3A_220 = arith.constant 10240 : i32
    %broadcast_in_dim3A_221 = vector.broadcast %jit3A_220 : i32 to vector<256x384xi32>
    %select_n3A_222 = arith.select %eq3A_219, %reshape3A_70, %broadcast_in_dim3A_221 : vector<256x384xi1>, vector<256x384xi32>
    %reduce_min3A_223 = arith.constant dense<2147483647> : vector<256xi32>
    %reduce_min3A_224 = vector.multi_reduction <minsi>, %select_n3A_222, %reduce_min3A_223 [1] : vector<256x384xi32> to vector<256xi32>
    %broadcast_in_dim3A_225 = vector.shape_cast %reduce_min3A_224 : vector<256xi32> to vector<256x1xi32>
    %eq3A_226 = vector.broadcast %broadcast_in_dim3A_225 : vector<256x1xi32> to vector<256x384xi32>
    %eq3A_227 = arith.cmpi eq, %reshape3A_70, %eq3A_226 : vector<256x384xi32>
    %jit3A_228 = arith.constant 0x7F800000 : f32
    %broadcast_in_dim3A_229 = vector.broadcast %jit3A_228 : f32 to vector<256x384xf32>
    %select_n3A_230 = arith.select %eq3A_227, %broadcast_in_dim3A_229, %select_n3A_214 : vector<256x384xi1>, vector<256x384xf32>
    %reduce_min3A_231 = arith.constant dense<0x7F800000> : vector<256xf32>
    %reduce_min3A_232 = vector.multi_reduction <minimumf>, %select_n3A_230, %reduce_min3A_231 [1] : vector<256x384xf32> to vector<256xf32>
    %broadcast_in_dim3A_233 = vector.shape_cast %reduce_min3A_232 : vector<256xf32> to vector<256x1xf32>
    %eq3A_234 = vector.broadcast %broadcast_in_dim3A_233 : vector<256x1xf32> to vector<256x384xf32>
    %eq3A_235 = arith.cmpf oeq, %select_n3A_230, %eq3A_234 : vector<256x384xf32>
    %jit3A_236 = arith.constant 10240 : i32
    %broadcast_in_dim3A_237 = vector.broadcast %jit3A_236 : i32 to vector<256x384xi32>
    %select_n3A_238 = arith.select %eq3A_235, %reshape3A_70, %broadcast_in_dim3A_237 : vector<256x384xi1>, vector<256x384xi32>
    %reduce_min3A_239 = arith.constant dense<2147483647> : vector<256xi32>
    %reduce_min3A_240 = vector.multi_reduction <minsi>, %select_n3A_238, %reduce_min3A_239 [1] : vector<256x384xi32> to vector<256xi32>
    %broadcast_in_dim3A_241 = vector.shape_cast %reduce_min3A_240 : vector<256xi32> to vector<256x1xi32>
    %eq3A_242 = vector.broadcast %broadcast_in_dim3A_241 : vector<256x1xi32> to vector<256x384xi32>
    %eq3A_243 = arith.cmpi eq, %reshape3A_70, %eq3A_242 : vector<256x384xi32>
    %jit3A_244 = arith.constant 0x7F800000 : f32
    %broadcast_in_dim3A_245 = vector.broadcast %jit3A_244 : f32 to vector<256x384xf32>
    %select_n3A_246 = arith.select %eq3A_243, %broadcast_in_dim3A_245, %select_n3A_230 : vector<256x384xi1>, vector<256x384xf32>
    %reduce_min3A_247 = arith.constant dense<0x7F800000> : vector<256xf32>
    %reduce_min3A_248 = vector.multi_reduction <minimumf>, %select_n3A_246, %reduce_min3A_247 [1] : vector<256x384xf32> to vector<256xf32>
    %broadcast_in_dim3A_249 = vector.shape_cast %reduce_min3A_248 : vector<256xf32> to vector<256x1xf32>
    %eq3A_250 = vector.broadcast %broadcast_in_dim3A_249 : vector<256x1xf32> to vector<256x384xf32>
    %eq3A_251 = arith.cmpf oeq, %select_n3A_246, %eq3A_250 : vector<256x384xf32>
    %jit3A_252 = arith.constant 10240 : i32
    %broadcast_in_dim3A_253 = vector.broadcast %jit3A_252 : i32 to vector<256x384xi32>
    %select_n3A_254 = arith.select %eq3A_251, %reshape3A_70, %broadcast_in_dim3A_253 : vector<256x384xi1>, vector<256x384xi32>
    %reduce_min3A_255 = arith.constant dense<2147483647> : vector<256xi32>
    %reduce_min3A_256 = vector.multi_reduction <minsi>, %select_n3A_254, %reduce_min3A_255 [1] : vector<256x384xi32> to vector<256xi32>
    %broadcast_in_dim3A_257 = vector.shape_cast %reduce_min3A_256 : vector<256xi32> to vector<256x1xi32>
    %eq3A_258 = vector.broadcast %broadcast_in_dim3A_257 : vector<256x1xi32> to vector<256x384xi32>
    %eq3A_259 = arith.cmpi eq, %reshape3A_70, %eq3A_258 : vector<256x384xi32>
    %jit3A_260 = arith.constant 0x7F800000 : f32
    %broadcast_in_dim3A_261 = vector.broadcast %jit3A_260 : f32 to vector<256x384xf32>
    %select_n3A_262 = arith.select %eq3A_259, %broadcast_in_dim3A_261, %select_n3A_246 : vector<256x384xi1>, vector<256x384xf32>
    %reduce_min3A_263 = arith.constant dense<0x7F800000> : vector<256xf32>
    %reduce_min3A_264 = vector.multi_reduction <minimumf>, %select_n3A_262, %reduce_min3A_263 [1] : vector<256x384xf32> to vector<256xf32>
    %broadcast_in_dim3A_265 = vector.shape_cast %reduce_min3A_264 : vector<256xf32> to vector<256x1xf32>
    %eq3A_266 = vector.broadcast %broadcast_in_dim3A_265 : vector<256x1xf32> to vector<256x384xf32>
    %eq3A_267 = arith.cmpf oeq, %select_n3A_262, %eq3A_266 : vector<256x384xf32>
    %jit3A_268 = arith.constant 10240 : i32
    %broadcast_in_dim3A_269 = vector.broadcast %jit3A_268 : i32 to vector<256x384xi32>
    %select_n3A_270 = arith.select %eq3A_267, %reshape3A_70, %broadcast_in_dim3A_269 : vector<256x384xi1>, vector<256x384xi32>
    %reduce_min3A_271 = arith.constant dense<2147483647> : vector<256xi32>
    %reduce_min3A_272 = vector.multi_reduction <minsi>, %select_n3A_270, %reduce_min3A_271 [1] : vector<256x384xi32> to vector<256xi32>
    %broadcast_in_dim3A_273 = vector.shape_cast %reduce_min3A_272 : vector<256xi32> to vector<256x1xi32>
    %eq3A_274 = vector.broadcast %broadcast_in_dim3A_273 : vector<256x1xi32> to vector<256x384xi32>
    %eq3A_275 = arith.cmpi eq, %reshape3A_70, %eq3A_274 : vector<256x384xi32>
    %jit3A_276 = arith.constant 0x7F800000 : f32
    %broadcast_in_dim3A_277 = vector.broadcast %jit3A_276 : f32 to vector<256x384xf32>
    %select_n3A_278 = arith.select %eq3A_275, %broadcast_in_dim3A_277, %select_n3A_262 : vector<256x384xi1>, vector<256x384xf32>
    %reduce_min3A_279 = arith.constant dense<0x7F800000> : vector<256xf32>
    %reduce_min3A_280 = vector.multi_reduction <minimumf>, %select_n3A_278, %reduce_min3A_279 [1] : vector<256x384xf32> to vector<256xf32>
    %broadcast_in_dim3A_281 = vector.shape_cast %reduce_min3A_280 : vector<256xf32> to vector<256x1xf32>
    %eq3A_282 = vector.broadcast %broadcast_in_dim3A_281 : vector<256x1xf32> to vector<256x384xf32>
    %eq3A_283 = arith.cmpf oeq, %select_n3A_278, %eq3A_282 : vector<256x384xf32>
    %jit3A_284 = arith.constant 10240 : i32
    %broadcast_in_dim3A_285 = vector.broadcast %jit3A_284 : i32 to vector<256x384xi32>
    %select_n3A_286 = arith.select %eq3A_283, %reshape3A_70, %broadcast_in_dim3A_285 : vector<256x384xi1>, vector<256x384xi32>
    %reduce_min3A_287 = arith.constant dense<2147483647> : vector<256xi32>
    %reduce_min3A_288 = vector.multi_reduction <minsi>, %select_n3A_286, %reduce_min3A_287 [1] : vector<256x384xi32> to vector<256xi32>
    %broadcast_in_dim3A_289 = vector.shape_cast %reduce_min3A_288 : vector<256xi32> to vector<256x1xi32>
    %eq3A_290 = vector.broadcast %broadcast_in_dim3A_289 : vector<256x1xi32> to vector<256x384xi32>
    %eq3A_291 = arith.cmpi eq, %reshape3A_70, %eq3A_290 : vector<256x384xi32>
    %jit3A_292 = arith.constant 0x7F800000 : f32
    %broadcast_in_dim3A_293 = vector.broadcast %jit3A_292 : f32 to vector<256x384xf32>
    %select_n3A_294 = arith.select %eq3A_291, %broadcast_in_dim3A_293, %select_n3A_278 : vector<256x384xi1>, vector<256x384xf32>
    %reduce_min3A_295 = arith.constant dense<0x7F800000> : vector<256xf32>
    %reduce_min3A_296 = vector.multi_reduction <minimumf>, %select_n3A_294, %reduce_min3A_295 [1] : vector<256x384xf32> to vector<256xf32>
    %broadcast_in_dim3A_297 = vector.shape_cast %reduce_min3A_296 : vector<256xf32> to vector<256x1xf32>
    %eq3A_298 = vector.broadcast %broadcast_in_dim3A_297 : vector<256x1xf32> to vector<256x384xf32>
    %eq3A_299 = arith.cmpf oeq, %select_n3A_294, %eq3A_298 : vector<256x384xf32>
    %jit3A_300 = arith.constant 10240 : i32
    %broadcast_in_dim3A_301 = vector.broadcast %jit3A_300 : i32 to vector<256x384xi32>
    %select_n3A_302 = arith.select %eq3A_299, %reshape3A_70, %broadcast_in_dim3A_301 : vector<256x384xi1>, vector<256x384xi32>
    %reduce_min3A_303 = arith.constant dense<2147483647> : vector<256xi32>
    %reduce_min3A_304 = vector.multi_reduction <minsi>, %select_n3A_302, %reduce_min3A_303 [1] : vector<256x384xi32> to vector<256xi32>
    %broadcast_in_dim3A_305 = vector.shape_cast %reduce_min3A_304 : vector<256xi32> to vector<256x1xi32>
    %eq3A_306 = vector.broadcast %broadcast_in_dim3A_305 : vector<256x1xi32> to vector<256x384xi32>
    %eq3A_307 = arith.cmpi eq, %reshape3A_70, %eq3A_306 : vector<256x384xi32>
    %jit3A_308 = arith.constant 0x7F800000 : f32
    %broadcast_in_dim3A_309 = vector.broadcast %jit3A_308 : f32 to vector<256x384xf32>
    %select_n3A_310 = arith.select %eq3A_307, %broadcast_in_dim3A_309, %select_n3A_294 : vector<256x384xi1>, vector<256x384xf32>
    %reduce_min3A_311 = arith.constant dense<0x7F800000> : vector<256xf32>
    %reduce_min3A_312 = vector.multi_reduction <minimumf>, %select_n3A_310, %reduce_min3A_311 [1] : vector<256x384xf32> to vector<256xf32>
    %broadcast_in_dim3A_313 = vector.shape_cast %reduce_min3A_312 : vector<256xf32> to vector<256x1xf32>
    %eq3A_314 = vector.broadcast %broadcast_in_dim3A_313 : vector<256x1xf32> to vector<256x384xf32>
    %eq3A_315 = arith.cmpf oeq, %select_n3A_310, %eq3A_314 : vector<256x384xf32>
    %jit3A_316 = arith.constant 10240 : i32
    %broadcast_in_dim3A_317 = vector.broadcast %jit3A_316 : i32 to vector<256x384xi32>
    %select_n3A_318 = arith.select %eq3A_315, %reshape3A_70, %broadcast_in_dim3A_317 : vector<256x384xi1>, vector<256x384xi32>
    %reduce_min3A_319 = arith.constant dense<2147483647> : vector<256xi32>
    %reduce_min3A_320 = vector.multi_reduction <minsi>, %select_n3A_318, %reduce_min3A_319 [1] : vector<256x384xi32> to vector<256xi32>
    %broadcast_in_dim3A_321 = vector.shape_cast %reduce_min3A_320 : vector<256xi32> to vector<256x1xi32>
    %concatenate3A_322 = tpu.concatenate %broadcast_in_dim3A_81, %broadcast_in_dim3A_97, %broadcast_in_dim3A_113, %broadcast_in_dim3A_129, %broadcast_in_dim3A_145, %broadcast_in_dim3A_161, %broadcast_in_dim3A_177, %broadcast_in_dim3A_193, %broadcast_in_dim3A_209, %broadcast_in_dim3A_225, %broadcast_in_dim3A_241, %broadcast_in_dim3A_257, %broadcast_in_dim3A_273, %broadcast_in_dim3A_289, %broadcast_in_dim3A_305, %broadcast_in_dim3A_321 in 1 : vector<256x1xi32>, vector<256x1xi32>, vector<256x1xi32>, vector<256x1xi32>, vector<256x1xi32>, vector<256x1xi32>, vector<256x1xi32>, vector<256x1xi32>, vector<256x1xi32>, vector<256x1xi32>, vector<256x1xi32>, vector<256x1xi32>, vector<256x1xi32>, vector<256x1xi32>, vector<256x1xi32>, vector<256x1xi32> -> vector<256x16xi32>
    %swap3A = arith.constant 0 : index
    %swap3A_323 = arith.constant 0 : index
    %swap3A_324 = vector.load %arg3[%swap3A, %swap3A_323] : memref<256x16xi32, #tpu.memory_space<vmem>>, vector<256x16xi32>
    tpu.vector_store %arg3[%swap3A, %swap3A_323], %concatenate3A_322 {strides = array<i32>} : memref<256x16xi32, #tpu.memory_space<vmem>>, vector<256x16xi32>,
    return
  }
  func.func @transform_0(%arg0: i32) -> (i32, i32) {
    %c0_i32 = arith.constant 0 : i32
    %c0_i32_0 = arith.constant 0 : i32
    return %arg0, %c0_i32 : i32, i32
  }
  func.func @transform_1(%arg0: i32) -> (i32, i32) {
    %c0_i32 = arith.constant 0 : i32
    %c0_i32_0 = arith.constant 0 : i32
    %c0_i32_1 = arith.constant 0 : i32
    return %c0_i32, %c0_i32_0 : i32, i32
  }
  func.func @transform_2(%arg0: i32) -> (i32, i32) {
    %c0_i32 = arith.constant 0 : i32
    %c0_i32_0 = arith.constant 0 : i32
    return %arg0, %c0_i32 : i32, i32
  }
}

module attributes {stable_mosaic.version = 14 : i64} {
  func.func @_proj_body(%arg0: i32, %arg1: memref<400x128xf32, #tpu.memory_space<vmem>>, %arg2: memref<400x16xf32, #tpu.memory_space<vmem>>, %arg3: memref<128x128xf32, #tpu.memory_space<vmem>>, %arg4: memref<1x128xf32, #tpu.memory_space<vmem>>, %arg5: memref<128x128xf32, #tpu.memory_space<vmem>>, %arg6: memref<1x128xf32, #tpu.memory_space<vmem>>, %arg7: memref<128x128xf32, #tpu.memory_space<vmem>>, %arg8: memref<1x128xf32, #tpu.memory_space<vmem>>, %arg9: memref<16x128xf32, #tpu.memory_space<vmem>>, %arg10: memref<400x128xf32, #tpu.memory_space<vmem>>, %arg11: memref<400x256xi32, #tpu.memory_space<vmem>>, %arg12: memref<400x128xf32, #tpu.memory_space<vmem>>) attributes {dimension_semantics = [#tpu.dimension_semantics<arbitrary>], iteration_bounds = array<i64: 25>, scalar_prefetch = 0 : i64, scratch_operands = 0 : i64, tpu.core_type = #tpu.core_type<tc>, window_params = [{transform_indices = @transform_0, window_bounds = array<i64: 400, 128>}, {transform_indices = @transform_1, window_bounds = array<i64: 400, 16>}, {pipeline_mode = #tpu.pipeline_mode<synchronous>, transform_indices = @transform_2, window_bounds = array<i64: 128, 128>}, {pipeline_mode = #tpu.pipeline_mode<synchronous>, transform_indices = @transform_3, window_bounds = array<i64: 1, 128>}, {pipeline_mode = #tpu.pipeline_mode<synchronous>, transform_indices = @transform_4, window_bounds = array<i64: 128, 128>}, {pipeline_mode = #tpu.pipeline_mode<synchronous>, transform_indices = @transform_5, window_bounds = array<i64: 1, 128>}, {pipeline_mode = #tpu.pipeline_mode<synchronous>, transform_indices = @transform_6, window_bounds = array<i64: 128, 128>}, {pipeline_mode = #tpu.pipeline_mode<synchronous>, transform_indices = @transform_7, window_bounds = array<i64: 1, 128>}, {pipeline_mode = #tpu.pipeline_mode<synchronous>, transform_indices = @transform_8, window_bounds = array<i64: 16, 128>}, {transform_indices = @transform_9, window_bounds = array<i64: 400, 128>}, {transform_indices = @transform_10, window_bounds = array<i64: 400, 256>}, {transform_indices = @transform_11, window_bounds = array<i64: 400, 128>}]} {
    %get3A = arith.constant 0 : index
    %get3A_0 = arith.constant 0 : index
    %get3A_1 = vector.load %arg1[%get3A, %get3A_0] : memref<400x128xf32, #tpu.memory_space<vmem>>, vector<400x128xf32>
    %get3A_2 = arith.constant 0 : index
    %get3A_3 = arith.constant 0 : index
    %get3A_4 = vector.load %arg3[%get3A_2, %get3A_3] : memref<128x128xf32, #tpu.memory_space<vmem>>, vector<128x128xf32>
    %dot_general3A = arith.constant dense<0.000000e+00> : vector<400x128xf32>
    %dot_general3A_5 = tpu.matmul %get3A_1, %get3A_4, %dot_general3A {dimension_numbers = #tpu.dot_dimension_numbers<[1], [0], [0], [1], [0, 0, 1, 1], [], []>, precision = #tpu.contract_precision<fp32>, transpose_lhs_hint = false} : vector<400x128xf32>, vector<128x128xf32>, vector<400x128xf32> -> vector<400x128xf32>
    %get3A_6 = arith.constant 0 : index
    %get3A_7 = arith.constant 0 : index
    %get3A_8 = vector.load %arg4[%get3A_6, %get3A_7] : memref<1x128xf32, #tpu.memory_space<vmem>>, vector<1x128xf32>
    %add3A = vector.broadcast %get3A_8 : vector<1x128xf32> to vector<400x128xf32>
    %add3A_9 = arith.addf %dot_general3A_5, %add3A : vector<400x128xf32>
    %swap3A = arith.constant 0 : index
    %swap3A_10 = arith.constant 0 : index
    %swap3A_11 = vector.load %arg10[%swap3A, %swap3A_10] : memref<400x128xf32, #tpu.memory_space<vmem>>, vector<400x128xf32>
    tpu.vector_store %arg10[%swap3A, %swap3A_10], %add3A_9 {strides = array<i32>} : memref<400x128xf32, #tpu.memory_space<vmem>>, vector<400x128xf32>,
    %get3A_12 = arith.constant 0 : index
    %get3A_13 = arith.constant 0 : index
    %get3A_14 = vector.load %arg5[%get3A_12, %get3A_13] : memref<128x128xf32, #tpu.memory_space<vmem>>, vector<128x128xf32>
    %dot_general3A_15 = arith.constant dense<0.000000e+00> : vector<400x128xf32>
    %dot_general3A_16 = tpu.matmul %get3A_1, %get3A_14, %dot_general3A_15 {dimension_numbers = #tpu.dot_dimension_numbers<[1], [0], [0], [1], [0, 0, 1, 1], [], []>, precision = #tpu.contract_precision<fp32>, transpose_lhs_hint = false} : vector<400x128xf32>, vector<128x128xf32>, vector<400x128xf32> -> vector<400x128xf32>
    %get3A_17 = arith.constant 0 : index
    %get3A_18 = arith.constant 0 : index
    %get3A_19 = vector.load %arg6[%get3A_17, %get3A_18] : memref<1x128xf32, #tpu.memory_space<vmem>>, vector<1x128xf32>
    %add3A_20 = vector.broadcast %get3A_19 : vector<1x128xf32> to vector<400x128xf32>
    %add3A_21 = arith.addf %dot_general3A_16, %add3A_20 : vector<400x128xf32>
    %bitcast_convert_type3A = tpu.bitcast %add3A_21 : vector<400x128xf32> -> vector<400x128xi32>
    %get3A_22 = arith.constant 0 : index
    %get3A_23 = arith.constant 0 : index
    %get3A_24 = vector.load %arg7[%get3A_22, %get3A_23] : memref<128x128xf32, #tpu.memory_space<vmem>>, vector<128x128xf32>
    %dot_general3A_25 = arith.constant dense<0.000000e+00> : vector<400x128xf32>
    %dot_general3A_26 = tpu.matmul %get3A_1, %get3A_24, %dot_general3A_25 {dimension_numbers = #tpu.dot_dimension_numbers<[1], [0], [0], [1], [0, 0, 1, 1], [], []>, precision = #tpu.contract_precision<fp32>, transpose_lhs_hint = false} : vector<400x128xf32>, vector<128x128xf32>, vector<400x128xf32> -> vector<400x128xf32>
    %get3A_27 = arith.constant 0 : index
    %get3A_28 = arith.constant 0 : index
    %get3A_29 = vector.load %arg8[%get3A_27, %get3A_28] : memref<1x128xf32, #tpu.memory_space<vmem>>, vector<1x128xf32>
    %add3A_30 = vector.broadcast %get3A_29 : vector<1x128xf32> to vector<400x128xf32>
    %add3A_31 = arith.addf %dot_general3A_26, %add3A_30 : vector<400x128xf32>
    %bitcast_convert_type3A_32 = tpu.bitcast %add3A_31 : vector<400x128xf32> -> vector<400x128xi32>
    %add3A_33 = arith.constant 32768 : i32
    %add3A_34 = vector.broadcast %add3A_33 : i32 to vector<400x128xi32>
    %add3A_35 = arith.addi %bitcast_convert_type3A, %add3A_34 : vector<400x128xi32>
    %shift_right_logical3A = arith.constant 16 : i32
    %shift_right_logical3A_36 = vector.broadcast %shift_right_logical3A : i32 to vector<400x128xi32>
    %shift_right_logical3A_37 = arith.shrui %add3A_35, %shift_right_logical3A_36 : vector<400x128xi32>
    %add3A_38 = arith.constant 32768 : i32
    %add3A_39 = vector.broadcast %add3A_38 : i32 to vector<400x128xi32>
    %add3A_40 = arith.addi %bitcast_convert_type3A_32, %add3A_39 : vector<400x128xi32>
    %and3A = arith.constant -65536 : i32
    %and3A_41 = vector.broadcast %and3A : i32 to vector<400x128xi32>
    %and3A_42 = arith.andi %add3A_40, %and3A_41 : vector<400x128xi32>
    %get3A_43 = arith.constant 0 : index
    %get3A_44 = arith.constant 0 : index
    %get3A_45 = vector.load %arg2[%get3A_43, %get3A_44] : memref<400x16xf32, #tpu.memory_space<vmem>>, vector<400x16xf32>
    %get3A_46 = arith.constant 0 : index
    %get3A_47 = arith.constant 0 : index
    %get3A_48 = vector.load %arg9[%get3A_46, %get3A_47] : memref<16x128xf32, #tpu.memory_space<vmem>>, vector<16x128xf32>
    %dot_general3A_49 = arith.constant dense<0.000000e+00> : vector<400x128xf32>
    %dot_general3A_50 = tpu.matmul %get3A_45, %get3A_48, %dot_general3A_49 {dimension_numbers = #tpu.dot_dimension_numbers<[1], [0], [0], [1], [0, 0, 1, 1], [], []>, precision = #tpu.contract_precision<fp32>, transpose_lhs_hint = false} : vector<400x16xf32>, vector<16x128xf32>, vector<400x128xf32> -> vector<400x128xf32>
    %or3A = arith.ori %shift_right_logical3A_37, %and3A_42 : vector<400x128xi32>
    %swap3A_51 = arith.constant 0 : index
    %swap3A_52 = arith.constant 0 : index
    %swap3A_53 = vector.load %arg11[%swap3A_51, %swap3A_52] : memref<400x256xi32, #tpu.memory_space<vmem>>, vector<400x128xi32>
    tpu.vector_store %arg11[%swap3A_51, %swap3A_52], %or3A {strides = array<i32>} : memref<400x256xi32, #tpu.memory_space<vmem>>, vector<400x128xi32>,
    %bitcast_convert_type3A_54 = tpu.bitcast %dot_general3A_50 : vector<400x128xf32> -> vector<400x128xi32>
    %swap3A_55 = arith.constant 0 : index
    %swap3A_56 = arith.constant 128 : index
    %swap3A_57 = vector.load %arg11[%swap3A_55, %swap3A_56] : memref<400x256xi32, #tpu.memory_space<vmem>>, vector<400x128xi32>
    tpu.vector_store %arg11[%swap3A_55, %swap3A_56], %bitcast_convert_type3A_54 {strides = array<i32>} : memref<400x256xi32, #tpu.memory_space<vmem>>, vector<400x128xi32>,
    %swap3A_58 = arith.constant 0 : index
    %swap3A_59 = arith.constant 0 : index
    %swap3A_60 = vector.load %arg12[%swap3A_58, %swap3A_59] : memref<400x128xf32, #tpu.memory_space<vmem>>, vector<400x128xf32>
    tpu.vector_store %arg12[%swap3A_58, %swap3A_59], %dot_general3A_50 {strides = array<i32>} : memref<400x128xf32, #tpu.memory_space<vmem>>, vector<400x128xf32>,
    return
  }
  func.func @transform_0(%arg0: i32) -> (i32, i32) {
    %c0_i32 = arith.constant 0 : i32
    %c0_i32_0 = arith.constant 0 : i32
    return %arg0, %c0_i32 : i32, i32
  }
  func.func @transform_1(%arg0: i32) -> (i32, i32) {
    %c0_i32 = arith.constant 0 : i32
    %c0_i32_0 = arith.constant 0 : i32
    return %arg0, %c0_i32 : i32, i32
  }
  func.func @transform_2(%arg0: i32) -> (i32, i32) {
    %c0_i32 = arith.constant 0 : i32
    %c0_i32_0 = arith.constant 0 : i32
    %c0_i32_1 = arith.constant 0 : i32
    return %c0_i32, %c0_i32_0 : i32, i32
  }
  func.func @transform_3(%arg0: i32) -> (i32, i32) {
    %c0_i32 = arith.constant 0 : i32
    %c0_i32_0 = arith.constant 0 : i32
    %c0_i32_1 = arith.constant 0 : i32
    return %c0_i32, %c0_i32_0 : i32, i32
  }
  func.func @transform_4(%arg0: i32) -> (i32, i32) {
    %c0_i32 = arith.constant 0 : i32
    %c0_i32_0 = arith.constant 0 : i32
    %c0_i32_1 = arith.constant 0 : i32
    return %c0_i32, %c0_i32_0 : i32, i32
  }
  func.func @transform_5(%arg0: i32) -> (i32, i32) {
    %c0_i32 = arith.constant 0 : i32
    %c0_i32_0 = arith.constant 0 : i32
    %c0_i32_1 = arith.constant 0 : i32
    return %c0_i32, %c0_i32_0 : i32, i32
  }
  func.func @transform_6(%arg0: i32) -> (i32, i32) {
    %c0_i32 = arith.constant 0 : i32
    %c0_i32_0 = arith.constant 0 : i32
    %c0_i32_1 = arith.constant 0 : i32
    return %c0_i32, %c0_i32_0 : i32, i32
  }
  func.func @transform_7(%arg0: i32) -> (i32, i32) {
    %c0_i32 = arith.constant 0 : i32
    %c0_i32_0 = arith.constant 0 : i32
    %c0_i32_1 = arith.constant 0 : i32
    return %c0_i32, %c0_i32_0 : i32, i32
  }
  func.func @transform_8(%arg0: i32) -> (i32, i32) {
    %c0_i32 = arith.constant 0 : i32
    %c0_i32_0 = arith.constant 0 : i32
    %c0_i32_1 = arith.constant 0 : i32
    return %c0_i32, %c0_i32_0 : i32, i32
  }
  func.func @transform_9(%arg0: i32) -> (i32, i32) {
    %c0_i32 = arith.constant 0 : i32
    %c0_i32_0 = arith.constant 0 : i32
    return %arg0, %c0_i32 : i32, i32
  }
  func.func @transform_10(%arg0: i32) -> (i32, i32) {
    %c0_i32 = arith.constant 0 : i32
    %c0_i32_0 = arith.constant 0 : i32
    return %arg0, %c0_i32 : i32, i32
  }
  func.func @transform_11(%arg0: i32) -> (i32, i32) {
    %c0_i32 = arith.constant 0 : i32
    %c0_i32_0 = arith.constant 0 : i32
    return %arg0, %c0_i32 : i32, i32
  }
}

module attributes {stable_mosaic.version = 14 : i64} {
  func.func @_stats1_body(%arg0: i32, %arg1: memref<400x128xf32, #tpu.memory_space<vmem>>, %arg2: memref<6400x128xi32, #tpu.memory_space<vmem>>, %arg3: memref<1x128xf32, #tpu.memory_space<vmem>>, %arg4: memref<8x128xf32, #tpu.memory_space<vmem>>, %arg5: memref<8x128xf32, #tpu.memory_space<vmem>>) attributes {dimension_semantics = [#tpu.dimension_semantics<arbitrary>], iteration_bounds = array<i64: 25>, scalar_prefetch = 0 : i64, scratch_operands = 0 : i64, tpu.core_type = #tpu.core_type<tc>, window_params = [{transform_indices = @transform_0, window_bounds = array<i64: 400, 128>}, {transform_indices = @transform_1, window_bounds = array<i64: 6400, 128>}, {pipeline_mode = #tpu.pipeline_mode<synchronous>, transform_indices = @transform_2, window_bounds = array<i64: 1, 128>}, {pipeline_mode = #tpu.pipeline_mode<synchronous>, transform_indices = @transform_3, window_bounds = array<i64: 8, 128>}, {pipeline_mode = #tpu.pipeline_mode<synchronous>, transform_indices = @transform_4, window_bounds = array<i64: 8, 128>}]} {
    %get3A = arith.constant 0 : index
    %get3A_0 = arith.constant 0 : index
    %get3A_1 = vector.load %arg2[%get3A, %get3A_0] : memref<6400x128xi32, #tpu.memory_space<vmem>>, vector<6400x128xi32>
    %bitcast_convert_type3A = tpu.bitcast %get3A_1 : vector<6400x128xi32> -> vector<6400x128xf32>
    %get3A_2 = arith.constant 0 : index
    %get3A_3 = arith.constant 0 : index
    %get3A_4 = vector.load %arg1[%get3A_2, %get3A_3] : memref<400x128xf32, #tpu.memory_space<vmem>>, vector<400x128xf32>
    %broadcast_in_dim3A = vector.shape_cast %get3A_4 : vector<400x128xf32> to vector<400x1x128xf32>
    %broadcast_in_dim3A_5 = vector.shape_cast %broadcast_in_dim3A : vector<400x1x128xf32> to vector<400x1x128xf32>
    %broadcast_in_dim3A_6 = vector.broadcast %broadcast_in_dim3A_5 : vector<400x1x128xf32> to vector<400x16x128xf32>
    %reshape3A = vector.shape_cast %broadcast_in_dim3A_6 : vector<400x16x128xf32> to vector<6400x128xf32>
    %sub3A = arith.subf %reshape3A, %bitcast_convert_type3A : vector<6400x128xf32>
    %get3A_7 = arith.constant 0 : index
    %get3A_8 = arith.constant 0 : index
    %get3A_9 = vector.load %arg3[%get3A_7, %get3A_8] : memref<1x128xf32, #tpu.memory_space<vmem>>, vector<1x128xf32>
    %add3A = vector.broadcast %get3A_9 : vector<1x128xf32> to vector<6400x128xf32>
    %add3A_10 = arith.addf %sub3A, %add3A : vector<6400x128xf32>
    %eq3A = arith.constant 0 : i32
    %eq3A_11 = arith.cmpi eq, %arg0, %eq3A : i32
    %reshape3A_12 = vector.shape_cast %add3A_10 : vector<6400x128xf32> to vector<800x8x128xf32>
    %reduce_sum3A = arith.constant dense<0.000000e+00> : vector<8x128xf32>
    %reduce_sum3A_13 = vector.multi_reduction <add>, %reshape3A_12, %reduce_sum3A [0] : vector<800x8x128xf32> to vector<8x128xf32>
    %convert_element_type3A = arith.extui %eq3A_11 : i1 to i32
    %cond3A = arith.constant 0 : i32
    %cond3A_14 = arith.cmpi ne, %convert_element_type3A, %cond3A : i32
    scf.if %cond3A_14 {
      %broadcast_in_dim3A_34 = arith.constant 0.000000e+00 : f32
      %broadcast_in_dim3A_35 = vector.broadcast %broadcast_in_dim3A_34 : f32 to vector<8x128xf32>
      %swap3A_36 = arith.constant 0 : index
      %swap3A_37 = arith.constant 0 : index
      %swap3A_38 = vector.load %arg4[%swap3A_36, %swap3A_37] : memref<8x128xf32, #tpu.memory_space<vmem>>, vector<8x128xf32>
      tpu.vector_store %arg4[%swap3A_36, %swap3A_37], %broadcast_in_dim3A_35 {strides = array<i32>} : memref<8x128xf32, #tpu.memory_space<vmem>>, vector<8x128xf32>,
    } else {
    }
    %get3A_15 = arith.constant 0 : index
    %get3A_16 = arith.constant 0 : index
    %get3A_17 = vector.load %arg4[%get3A_15, %get3A_16] : memref<8x128xf32, #tpu.memory_space<vmem>>, vector<8x128xf32>
    %add3A_18 = arith.addf %get3A_17, %reduce_sum3A_13 : vector<8x128xf32>
    %swap3A = arith.constant 0 : index
    %swap3A_19 = arith.constant 0 : index
    %swap3A_20 = vector.load %arg4[%swap3A, %swap3A_19] : memref<8x128xf32, #tpu.memory_space<vmem>>, vector<8x128xf32>
    tpu.vector_store %arg4[%swap3A, %swap3A_19], %add3A_18 {strides = array<i32>} : memref<8x128xf32, #tpu.memory_space<vmem>>, vector<8x128xf32>,
    %mul3A = arith.mulf %add3A_10, %add3A_10 : vector<6400x128xf32>
    %reshape3A_21 = vector.shape_cast %mul3A : vector<6400x128xf32> to vector<800x8x128xf32>
    %reduce_sum3A_22 = arith.constant dense<0.000000e+00> : vector<8x128xf32>
    %reduce_sum3A_23 = vector.multi_reduction <add>, %reshape3A_21, %reduce_sum3A_22 [0] : vector<800x8x128xf32> to vector<8x128xf32>
    %convert_element_type3A_24 = arith.extui %eq3A_11 : i1 to i32
    %cond3A_25 = arith.constant 0 : i32
    %cond3A_26 = arith.cmpi ne, %convert_element_type3A_24, %cond3A_25 : i32
    scf.if %cond3A_26 {
      %broadcast_in_dim3A_34 = arith.constant 0.000000e+00 : f32
      %broadcast_in_dim3A_35 = vector.broadcast %broadcast_in_dim3A_34 : f32 to vector<8x128xf32>
      %swap3A_36 = arith.constant 0 : index
      %swap3A_37 = arith.constant 0 : index
      %swap3A_38 = vector.load %arg5[%swap3A_36, %swap3A_37] : memref<8x128xf32, #tpu.memory_space<vmem>>, vector<8x128xf32>
      tpu.vector_store %arg5[%swap3A_36, %swap3A_37], %broadcast_in_dim3A_35 {strides = array<i32>} : memref<8x128xf32, #tpu.memory_space<vmem>>, vector<8x128xf32>,
    } else {
    }
    %get3A_27 = arith.constant 0 : index
    %get3A_28 = arith.constant 0 : index
    %get3A_29 = vector.load %arg5[%get3A_27, %get3A_28] : memref<8x128xf32, #tpu.memory_space<vmem>>, vector<8x128xf32>
    %add3A_30 = arith.addf %get3A_29, %reduce_sum3A_23 : vector<8x128xf32>
    %swap3A_31 = arith.constant 0 : index
    %swap3A_32 = arith.constant 0 : index
    %swap3A_33 = vector.load %arg5[%swap3A_31, %swap3A_32] : memref<8x128xf32, #tpu.memory_space<vmem>>, vector<8x128xf32>
    tpu.vector_store %arg5[%swap3A_31, %swap3A_32], %add3A_30 {strides = array<i32>} : memref<8x128xf32, #tpu.memory_space<vmem>>, vector<8x128xf32>,
    return
  }
  func.func @transform_0(%arg0: i32) -> (i32, i32) {
    %c0_i32 = arith.constant 0 : i32
    %c0_i32_0 = arith.constant 0 : i32
    return %arg0, %c0_i32 : i32, i32
  }
  func.func @transform_1(%arg0: i32) -> (i32, i32) {
    %c1_i32 = arith.constant 1 : i32
    %c0_i32 = arith.constant 0 : i32
    return %arg0, %c1_i32 : i32, i32
  }
  func.func @transform_2(%arg0: i32) -> (i32, i32) {
    %c0_i32 = arith.constant 0 : i32
    %c0_i32_0 = arith.constant 0 : i32
    %c0_i32_1 = arith.constant 0 : i32
    return %c0_i32, %c0_i32_0 : i32, i32
  }
  func.func @transform_3(%arg0: i32) -> (i32, i32) {
    %c0_i32 = arith.constant 0 : i32
    %c0_i32_0 = arith.constant 0 : i32
    %c0_i32_1 = arith.constant 0 : i32
    return %c0_i32, %c0_i32_0 : i32, i32
  }
  func.func @transform_4(%arg0: i32) -> (i32, i32) {
    %c0_i32 = arith.constant 0 : i32
    %c0_i32_0 = arith.constant 0 : i32
    %c0_i32_1 = arith.constant 0 : i32
    return %c0_i32, %c0_i32_0 : i32, i32
  }
}

module attributes {stable_mosaic.version = 14 : i64} {
  func.func @_stats2_body(%arg0: i32, %arg1: memref<400x128xf32, #tpu.memory_space<vmem>>, %arg2: memref<6400x128xi32, #tpu.memory_space<vmem>>, %arg3: memref<400x128xf32, #tpu.memory_space<vmem>>, %arg4: memref<6400x128xi32, #tpu.memory_space<vmem>>, %arg5: memref<1x128xf32, #tpu.memory_space<vmem>>, %arg6: memref<1x128xf32, #tpu.memory_space<vmem>>, %arg7: memref<1x128xf32, #tpu.memory_space<vmem>>, %arg8: memref<128x128xf32, #tpu.memory_space<vmem>>, %arg9: memref<1x128xf32, #tpu.memory_space<vmem>>, %arg10: memref<128x128xf32, #tpu.memory_space<vmem>>, %arg11: memref<1x128xf32, #tpu.memory_space<vmem>>, %arg12: memref<8x128xf32, #tpu.memory_space<vmem>>, %arg13: memref<8x128xf32, #tpu.memory_space<vmem>>) attributes {dimension_semantics = [#tpu.dimension_semantics<arbitrary>], iteration_bounds = array<i64: 25>, scalar_prefetch = 0 : i64, scratch_operands = 0 : i64, tpu.core_type = #tpu.core_type<tc>, window_params = [{transform_indices = @transform_0, window_bounds = array<i64: 400, 128>}, {transform_indices = @transform_1, window_bounds = array<i64: 6400, 128>}, {transform_indices = @transform_2, window_bounds = array<i64: 400, 128>}, {transform_indices = @transform_3, window_bounds = array<i64: 6400, 128>}, {pipeline_mode = #tpu.pipeline_mode<synchronous>, transform_indices = @transform_4, window_bounds = array<i64: 1, 128>}, {pipeline_mode = #tpu.pipeline_mode<synchronous>, transform_indices = @transform_5, window_bounds = array<i64: 1, 128>}, {pipeline_mode = #tpu.pipeline_mode<synchronous>, transform_indices = @transform_6, window_bounds = array<i64: 1, 128>}, {pipeline_mode = #tpu.pipeline_mode<synchronous>, transform_indices = @transform_7, window_bounds = array<i64: 128, 128>}, {pipeline_mode = #tpu.pipeline_mode<synchronous>, transform_indices = @transform_8, window_bounds = array<i64: 1, 128>}, {pipeline_mode = #tpu.pipeline_mode<synchronous>, transform_indices = @transform_9, window_bounds = array<i64: 128, 128>}, {pipeline_mode = #tpu.pipeline_mode<synchronous>, transform_indices = @transform_10, window_bounds = array<i64: 1, 128>}, {pipeline_mode = #tpu.pipeline_mode<synchronous>, transform_indices = @transform_11, window_bounds = array<i64: 8, 128>}, {pipeline_mode = #tpu.pipeline_mode<synchronous>, transform_indices = @transform_12, window_bounds = array<i64: 8, 128>}]} {
    %get3A = arith.constant 0 : index
    %get3A_0 = arith.constant 0 : index
    %get3A_1 = vector.load %arg2[%get3A, %get3A_0] : memref<6400x128xi32, #tpu.memory_space<vmem>>, vector<6400x128xi32>
    %bitcast_convert_type3A = tpu.bitcast %get3A_1 : vector<6400x128xi32> -> vector<6400x128xf32>
    %get3A_2 = arith.constant 0 : index
    %get3A_3 = arith.constant 0 : index
    %get3A_4 = vector.load %arg1[%get3A_2, %get3A_3] : memref<400x128xf32, #tpu.memory_space<vmem>>, vector<400x128xf32>
    %broadcast_in_dim3A = vector.shape_cast %get3A_4 : vector<400x128xf32> to vector<400x1x128xf32>
    %broadcast_in_dim3A_5 = vector.shape_cast %broadcast_in_dim3A : vector<400x1x128xf32> to vector<400x1x128xf32>
    %broadcast_in_dim3A_6 = vector.broadcast %broadcast_in_dim3A_5 : vector<400x1x128xf32> to vector<400x16x128xf32>
    %reshape3A = vector.shape_cast %broadcast_in_dim3A_6 : vector<400x16x128xf32> to vector<6400x128xf32>
    %sub3A = arith.subf %reshape3A, %bitcast_convert_type3A : vector<6400x128xf32>
    %get3A_7 = arith.constant 0 : index
    %get3A_8 = arith.constant 0 : index
    %get3A_9 = vector.load %arg5[%get3A_7, %get3A_8] : memref<1x128xf32, #tpu.memory_space<vmem>>, vector<1x128xf32>
    %add3A = vector.broadcast %get3A_9 : vector<1x128xf32> to vector<6400x128xf32>
    %add3A_10 = arith.addf %sub3A, %add3A : vector<6400x128xf32>
    %get3A_11 = arith.constant 0 : index
    %get3A_12 = arith.constant 0 : index
    %get3A_13 = vector.load %arg6[%get3A_11, %get3A_12] : memref<1x128xf32, #tpu.memory_space<vmem>>, vector<1x128xf32>
    %mul3A = vector.broadcast %get3A_13 : vector<1x128xf32> to vector<6400x128xf32>
    %mul3A_14 = arith.mulf %add3A_10, %mul3A : vector<6400x128xf32>
    %get3A_15 = arith.constant 0 : index
    %get3A_16 = arith.constant 0 : index
    %get3A_17 = vector.load %arg7[%get3A_15, %get3A_16] : memref<1x128xf32, #tpu.memory_space<vmem>>, vector<1x128xf32>
    %add3A_18 = vector.broadcast %get3A_17 : vector<1x128xf32> to vector<6400x128xf32>
    %add3A_19 = arith.addf %mul3A_14, %add3A_18 : vector<6400x128xf32>
    %max3A = arith.constant 0.000000e+00 : f32
    %max3A_20 = vector.broadcast %max3A : f32 to vector<6400x128xf32>
    %max3A_21 = arith.maximumf %add3A_19, %max3A_20 : vector<6400x128xf32>
    %get3A_22 = arith.constant 0 : index
    %get3A_23 = arith.constant 0 : index
    %get3A_24 = vector.load %arg8[%get3A_22, %get3A_23] : memref<128x128xf32, #tpu.memory_space<vmem>>, vector<128x128xf32>
    %dot_general3A = arith.constant dense<0.000000e+00> : vector<6400x128xf32>
    %dot_general3A_25 = tpu.matmul %max3A_21, %get3A_24, %dot_general3A {dimension_numbers = #tpu.dot_dimension_numbers<[1], [0], [0], [1], [0, 0, 1, 1], [], []>, precision = #tpu.contract_precision<fp32>, transpose_lhs_hint = false} : vector<6400x128xf32>, vector<128x128xf32>, vector<6400x128xf32> -> vector<6400x128xf32>
    %get3A_26 = arith.constant 0 : index
    %get3A_27 = arith.constant 0 : index
    %get3A_28 = vector.load %arg9[%get3A_26, %get3A_27] : memref<1x128xf32, #tpu.memory_space<vmem>>, vector<1x128xf32>
    %add3A_29 = vector.broadcast %get3A_28 : vector<1x128xf32> to vector<6400x128xf32>
    %add3A_30 = arith.addf %dot_general3A_25, %add3A_29 : vector<6400x128xf32>
    %get3A_31 = arith.constant 0 : index
    %get3A_32 = arith.constant 0 : index
    %get3A_33 = vector.load %arg4[%get3A_31, %get3A_32] : memref<6400x128xi32, #tpu.memory_space<vmem>>, vector<6400x128xi32>
    %shift_left3A = arith.constant 16 : i32
    %shift_left3A_34 = vector.broadcast %shift_left3A : i32 to vector<6400x128xi32>
    %shift_left3A_35 = arith.shli %get3A_33, %shift_left3A_34 : vector<6400x128xi32>
    %bitcast_convert_type3A_36 = tpu.bitcast %shift_left3A_35 : vector<6400x128xi32> -> vector<6400x128xf32>
    %get3A_37 = arith.constant 0 : index
    %get3A_38 = arith.constant 0 : index
    %get3A_39 = vector.load %arg3[%get3A_37, %get3A_38] : memref<400x128xf32, #tpu.memory_space<vmem>>, vector<400x128xf32>
    %broadcast_in_dim3A_40 = vector.shape_cast %get3A_39 : vector<400x128xf32> to vector<400x1x128xf32>
    %broadcast_in_dim3A_41 = vector.shape_cast %broadcast_in_dim3A_40 : vector<400x1x128xf32> to vector<400x1x128xf32>
    %broadcast_in_dim3A_42 = vector.broadcast %broadcast_in_dim3A_41 : vector<400x1x128xf32> to vector<400x16x128xf32>
    %reshape3A_43 = vector.shape_cast %broadcast_in_dim3A_42 : vector<400x16x128xf32> to vector<6400x128xf32>
    %sub3A_44 = arith.subf %reshape3A_43, %bitcast_convert_type3A_36 : vector<6400x128xf32>
    %add3A_45 = arith.addf %sub3A_44, %add3A_30 : vector<6400x128xf32>
    %get3A_46 = arith.constant 0 : index
    %get3A_47 = arith.constant 0 : index
    %get3A_48 = vector.load %arg10[%get3A_46, %get3A_47] : memref<128x128xf32, #tpu.memory_space<vmem>>, vector<128x128xf32>
    %dot_general3A_49 = arith.constant dense<0.000000e+00> : vector<6400x128xf32>
    %dot_general3A_50 = tpu.matmul %add3A_45, %get3A_48, %dot_general3A_49 {dimension_numbers = #tpu.dot_dimension_numbers<[1], [0], [0], [1], [0, 0, 1, 1], [], []>, precision = #tpu.contract_precision<fp32>, transpose_lhs_hint = false} : vector<6400x128xf32>, vector<128x128xf32>, vector<6400x128xf32> -> vector<6400x128xf32>
    %get3A_51 = arith.constant 0 : index
    %get3A_52 = arith.constant 0 : index
    %get3A_53 = vector.load %arg11[%get3A_51, %get3A_52] : memref<1x128xf32, #tpu.memory_space<vmem>>, vector<1x128xf32>
    %add3A_54 = vector.broadcast %get3A_53 : vector<1x128xf32> to vector<6400x128xf32>
    %add3A_55 = arith.addf %dot_general3A_50, %add3A_54 : vector<6400x128xf32>
    %eq3A = arith.constant 0 : i32
    %eq3A_56 = arith.cmpi eq, %arg0, %eq3A : i32
    %reshape3A_57 = vector.shape_cast %add3A_55 : vector<6400x128xf32> to vector<800x8x128xf32>
    %reduce_sum3A = arith.constant dense<0.000000e+00> : vector<8x128xf32>
    %reduce_sum3A_58 = vector.multi_reduction <add>, %reshape3A_57, %reduce_sum3A [0] : vector<800x8x128xf32> to vector<8x128xf32>
    %convert_element_type3A = arith.extui %eq3A_56 : i1 to i32
    %cond3A = arith.constant 0 : i32
    %cond3A_59 = arith.cmpi ne, %convert_element_type3A, %cond3A : i32
    scf.if %cond3A_59 {
      %broadcast_in_dim3A_80 = arith.constant 0.000000e+00 : f32
      %broadcast_in_dim3A_81 = vector.broadcast %broadcast_in_dim3A_80 : f32 to vector<8x128xf32>
      %swap3A_82 = arith.constant 0 : index
      %swap3A_83 = arith.constant 0 : index
      %swap3A_84 = vector.load %arg12[%swap3A_82, %swap3A_83] : memref<8x128xf32, #tpu.memory_space<vmem>>, vector<8x128xf32>
      tpu.vector_store %arg12[%swap3A_82, %swap3A_83], %broadcast_in_dim3A_81 {strides = array<i32>} : memref<8x128xf32, #tpu.memory_space<vmem>>, vector<8x128xf32>,
    } else {
    }
    %get3A_60 = arith.constant 0 : index
    %get3A_61 = arith.constant 0 : index
    %get3A_62 = vector.load %arg12[%get3A_60, %get3A_61] : memref<8x128xf32, #tpu.memory_space<vmem>>, vector<8x128xf32>
    %add3A_63 = arith.addf %get3A_62, %reduce_sum3A_58 : vector<8x128xf32>
    %swap3A = arith.constant 0 : index
    %swap3A_64 = arith.constant 0 : index
    %swap3A_65 = vector.load %arg12[%swap3A, %swap3A_64] : memref<8x128xf32, #tpu.memory_space<vmem>>, vector<8x128xf32>
    tpu.vector_store %arg12[%swap3A, %swap3A_64], %add3A_63 {strides = array<i32>} : memref<8x128xf32, #tpu.memory_space<vmem>>, vector<8x128xf32>,
    %mul3A_66 = arith.mulf %add3A_55, %add3A_55 : vector<6400x128xf32>
    %reshape3A_67 = vector.shape_cast %mul3A_66 : vector<6400x128xf32> to vector<800x8x128xf32>
    %reduce_sum3A_68 = arith.constant dense<0.000000e+00> : vector<8x128xf32>
    %reduce_sum3A_69 = vector.multi_reduction <add>, %reshape3A_67, %reduce_sum3A_68 [0] : vector<800x8x128xf32> to vector<8x128xf32>
    %convert_element_type3A_70 = arith.extui %eq3A_56 : i1 to i32
    %cond3A_71 = arith.constant 0 : i32
    %cond3A_72 = arith.cmpi ne, %convert_element_type3A_70, %cond3A_71 : i32
    scf.if %cond3A_72 {
      %broadcast_in_dim3A_80 = arith.constant 0.000000e+00 : f32
      %broadcast_in_dim3A_81 = vector.broadcast %broadcast_in_dim3A_80 : f32 to vector<8x128xf32>
      %swap3A_82 = arith.constant 0 : index
      %swap3A_83 = arith.constant 0 : index
      %swap3A_84 = vector.load %arg13[%swap3A_82, %swap3A_83] : memref<8x128xf32, #tpu.memory_space<vmem>>, vector<8x128xf32>
      tpu.vector_store %arg13[%swap3A_82, %swap3A_83], %broadcast_in_dim3A_81 {strides = array<i32>} : memref<8x128xf32, #tpu.memory_space<vmem>>, vector<8x128xf32>,
    } else {
    }
    %get3A_73 = arith.constant 0 : index
    %get3A_74 = arith.constant 0 : index
    %get3A_75 = vector.load %arg13[%get3A_73, %get3A_74] : memref<8x128xf32, #tpu.memory_space<vmem>>, vector<8x128xf32>
    %add3A_76 = arith.addf %get3A_75, %reduce_sum3A_69 : vector<8x128xf32>
    %swap3A_77 = arith.constant 0 : index
    %swap3A_78 = arith.constant 0 : index
    %swap3A_79 = vector.load %arg13[%swap3A_77, %swap3A_78] : memref<8x128xf32, #tpu.memory_space<vmem>>, vector<8x128xf32>
    tpu.vector_store %arg13[%swap3A_77, %swap3A_78], %add3A_76 {strides = array<i32>} : memref<8x128xf32, #tpu.memory_space<vmem>>, vector<8x128xf32>,
    return
  }
  func.func @transform_0(%arg0: i32) -> (i32, i32) {
    %c0_i32 = arith.constant 0 : i32
    %c0_i32_0 = arith.constant 0 : i32
    return %arg0, %c0_i32 : i32, i32
  }
  func.func @transform_1(%arg0: i32) -> (i32, i32) {
    %c1_i32 = arith.constant 1 : i32
    %c0_i32 = arith.constant 0 : i32
    return %arg0, %c1_i32 : i32, i32
  }
  func.func @transform_2(%arg0: i32) -> (i32, i32) {
    %c0_i32 = arith.constant 0 : i32
    %c0_i32_0 = arith.constant 0 : i32
    return %arg0, %c0_i32 : i32, i32
  }
  func.func @transform_3(%arg0: i32) -> (i32, i32) {
    %c0_i32 = arith.constant 0 : i32
    %c0_i32_0 = arith.constant 0 : i32
    return %arg0, %c0_i32 : i32, i32
  }
  func.func @transform_4(%arg0: i32) -> (i32, i32) {
    %c0_i32 = arith.constant 0 : i32
    %c0_i32_0 = arith.constant 0 : i32
    %c0_i32_1 = arith.constant 0 : i32
    return %c0_i32, %c0_i32_0 : i32, i32
  }
  func.func @transform_5(%arg0: i32) -> (i32, i32) {
    %c0_i32 = arith.constant 0 : i32
    %c0_i32_0 = arith.constant 0 : i32
    %c0_i32_1 = arith.constant 0 : i32
    return %c0_i32, %c0_i32_0 : i32, i32
  }
  func.func @transform_6(%arg0: i32) -> (i32, i32) {
    %c0_i32 = arith.constant 0 : i32
    %c0_i32_0 = arith.constant 0 : i32
    %c0_i32_1 = arith.constant 0 : i32
    return %c0_i32, %c0_i32_0 : i32, i32
  }
  func.func @transform_7(%arg0: i32) -> (i32, i32) {
    %c0_i32 = arith.constant 0 : i32
    %c0_i32_0 = arith.constant 0 : i32
    %c0_i32_1 = arith.constant 0 : i32
    return %c0_i32, %c0_i32_0 : i32, i32
  }
  func.func @transform_8(%arg0: i32) -> (i32, i32) {
    %c0_i32 = arith.constant 0 : i32
    %c0_i32_0 = arith.constant 0 : i32
    %c0_i32_1 = arith.constant 0 : i32
    return %c0_i32, %c0_i32_0 : i32, i32
  }
  func.func @transform_9(%arg0: i32) -> (i32, i32) {
    %c0_i32 = arith.constant 0 : i32
    %c0_i32_0 = arith.constant 0 : i32
    %c0_i32_1 = arith.constant 0 : i32
    return %c0_i32, %c0_i32_0 : i32, i32
  }
  func.func @transform_10(%arg0: i32) -> (i32, i32) {
    %c0_i32 = arith.constant 0 : i32
    %c0_i32_0 = arith.constant 0 : i32
    %c0_i32_1 = arith.constant 0 : i32
    return %c0_i32, %c0_i32_0 : i32, i32
  }
  func.func @transform_11(%arg0: i32) -> (i32, i32) {
    %c0_i32 = arith.constant 0 : i32
    %c0_i32_0 = arith.constant 0 : i32
    %c0_i32_1 = arith.constant 0 : i32
    return %c0_i32, %c0_i32_0 : i32, i32
  }
  func.func @transform_12(%arg0: i32) -> (i32, i32) {
    %c0_i32 = arith.constant 0 : i32
    %c0_i32_0 = arith.constant 0 : i32
    %c0_i32_1 = arith.constant 0 : i32
    return %c0_i32, %c0_i32_0 : i32, i32
  }
}

module attributes {stable_mosaic.version = 14 : i64} {
  func.func @_final_body(%arg0: i32, %arg1: memref<400x128xf32, #tpu.memory_space<vmem>>, %arg2: memref<6400x128xi32, #tpu.memory_space<vmem>>, %arg3: memref<400x128xf32, #tpu.memory_space<vmem>>, %arg4: memref<6400x128xi32, #tpu.memory_space<vmem>>, %arg5: memref<1x128xf32, #tpu.memory_space<vmem>>, %arg6: memref<1x128xf32, #tpu.memory_space<vmem>>, %arg7: memref<1x128xf32, #tpu.memory_space<vmem>>, %arg8: memref<128x128xf32, #tpu.memory_space<vmem>>, %arg9: memref<1x128xf32, #tpu.memory_space<vmem>>, %arg10: memref<128x128xf32, #tpu.memory_space<vmem>>, %arg11: memref<1x128xf32, #tpu.memory_space<vmem>>, %arg12: memref<1x128xf32, #tpu.memory_space<vmem>>, %arg13: memref<1x128xf32, #tpu.memory_space<vmem>>, %arg14: memref<128x128xf32, #tpu.memory_space<vmem>>, %arg15: memref<1x128xf32, #tpu.memory_space<vmem>>, %arg16: memref<128x128xf32, #tpu.memory_space<vmem>>, %arg17: memref<1x128xf32, #tpu.memory_space<vmem>>, %arg18: memref<400x128xf32, #tpu.memory_space<vmem>>) attributes {dimension_semantics = [#tpu.dimension_semantics<arbitrary>], iteration_bounds = array<i64: 25>, scalar_prefetch = 0 : i64, scratch_operands = 0 : i64, tpu.core_type = #tpu.core_type<tc>, window_params = [{transform_indices = @transform_0, window_bounds = array<i64: 400, 128>}, {transform_indices = @transform_1, window_bounds = array<i64: 6400, 128>}, {transform_indices = @transform_2, window_bounds = array<i64: 400, 128>}, {transform_indices = @transform_3, window_bounds = array<i64: 6400, 128>}, {pipeline_mode = #tpu.pipeline_mode<synchronous>, transform_indices = @transform_4, window_bounds = array<i64: 1, 128>}, {pipeline_mode = #tpu.pipeline_mode<synchronous>, transform_indices = @transform_5, window_bounds = array<i64: 1, 128>}, {pipeline_mode = #tpu.pipeline_mode<synchronous>, transform_indices = @transform_6, window_bounds = array<i64: 1, 128>}, {pipeline_mode = #tpu.pipeline_mode<synchronous>, transform_indices = @transform_7, window_bounds = array<i64: 128, 128>}, {pipeline_mode = #tpu.pipeline_mode<synchronous>, transform_indices = @transform_8, window_bounds = array<i64: 1, 128>}, {pipeline_mode = #tpu.pipeline_mode<synchronous>, transform_indices = @transform_9, window_bounds = array<i64: 128, 128>}, {pipeline_mode = #tpu.pipeline_mode<synchronous>, transform_indices = @transform_10, window_bounds = array<i64: 1, 128>}, {pipeline_mode = #tpu.pipeline_mode<synchronous>, transform_indices = @transform_11, window_bounds = array<i64: 1, 128>}, {pipeline_mode = #tpu.pipeline_mode<synchronous>, transform_indices = @transform_12, window_bounds = array<i64: 1, 128>}, {pipeline_mode = #tpu.pipeline_mode<synchronous>, transform_indices = @transform_13, window_bounds = array<i64: 128, 128>}, {pipeline_mode = #tpu.pipeline_mode<synchronous>, transform_indices = @transform_14, window_bounds = array<i64: 1, 128>}, {pipeline_mode = #tpu.pipeline_mode<synchronous>, transform_indices = @transform_15, window_bounds = array<i64: 128, 128>}, {pipeline_mode = #tpu.pipeline_mode<synchronous>, transform_indices = @transform_16, window_bounds = array<i64: 1, 128>}, {transform_indices = @transform_17, window_bounds = array<i64: 400, 128>}]} {
    %get3A = arith.constant 0 : index
    %get3A_0 = arith.constant 0 : index
    %get3A_1 = vector.load %arg2[%get3A, %get3A_0] : memref<6400x128xi32, #tpu.memory_space<vmem>>, vector<6400x128xi32>
    %bitcast_convert_type3A = tpu.bitcast %get3A_1 : vector<6400x128xi32> -> vector<6400x128xf32>
    %get3A_2 = arith.constant 0 : index
    %get3A_3 = arith.constant 0 : index
    %get3A_4 = vector.load %arg1[%get3A_2, %get3A_3] : memref<400x128xf32, #tpu.memory_space<vmem>>, vector<400x128xf32>
    %broadcast_in_dim3A = vector.shape_cast %get3A_4 : vector<400x128xf32> to vector<400x1x128xf32>
    %broadcast_in_dim3A_5 = vector.shape_cast %broadcast_in_dim3A : vector<400x1x128xf32> to vector<400x1x128xf32>
    %broadcast_in_dim3A_6 = vector.broadcast %broadcast_in_dim3A_5 : vector<400x1x128xf32> to vector<400x16x128xf32>
    %reshape3A = vector.shape_cast %broadcast_in_dim3A_6 : vector<400x16x128xf32> to vector<6400x128xf32>
    %sub3A = arith.subf %reshape3A, %bitcast_convert_type3A : vector<6400x128xf32>
    %get3A_7 = arith.constant 0 : index
    %get3A_8 = arith.constant 0 : index
    %get3A_9 = vector.load %arg5[%get3A_7, %get3A_8] : memref<1x128xf32, #tpu.memory_space<vmem>>, vector<1x128xf32>
    %add3A = vector.broadcast %get3A_9 : vector<1x128xf32> to vector<6400x128xf32>
    %add3A_10 = arith.addf %sub3A, %add3A : vector<6400x128xf32>
    %get3A_11 = arith.constant 0 : index
    %get3A_12 = arith.constant 0 : index
    %get3A_13 = vector.load %arg6[%get3A_11, %get3A_12] : memref<1x128xf32, #tpu.memory_space<vmem>>, vector<1x128xf32>
    %mul3A = vector.broadcast %get3A_13 : vector<1x128xf32> to vector<6400x128xf32>
    %mul3A_14 = arith.mulf %add3A_10, %mul3A : vector<6400x128xf32>
    %get3A_15 = arith.constant 0 : index
    %get3A_16 = arith.constant 0 : index
    %get3A_17 = vector.load %arg7[%get3A_15, %get3A_16] : memref<1x128xf32, #tpu.memory_space<vmem>>, vector<1x128xf32>
    %add3A_18 = vector.broadcast %get3A_17 : vector<1x128xf32> to vector<6400x128xf32>
    %add3A_19 = arith.addf %mul3A_14, %add3A_18 : vector<6400x128xf32>
    %max3A = arith.constant 0.000000e+00 : f32
    %max3A_20 = vector.broadcast %max3A : f32 to vector<6400x128xf32>
    %max3A_21 = arith.maximumf %add3A_19, %max3A_20 : vector<6400x128xf32>
    %get3A_22 = arith.constant 0 : index
    %get3A_23 = arith.constant 0 : index
    %get3A_24 = vector.load %arg8[%get3A_22, %get3A_23] : memref<128x128xf32, #tpu.memory_space<vmem>>, vector<128x128xf32>
    %dot_general3A = arith.constant dense<0.000000e+00> : vector<6400x128xf32>
    %dot_general3A_25 = tpu.matmul %max3A_21, %get3A_24, %dot_general3A {dimension_numbers = #tpu.dot_dimension_numbers<[1], [0], [0], [1], [0, 0, 1, 1], [], []>, precision = #tpu.contract_precision<fp32>, transpose_lhs_hint = false} : vector<6400x128xf32>, vector<128x128xf32>, vector<6400x128xf32> -> vector<6400x128xf32>
    %get3A_26 = arith.constant 0 : index
    %get3A_27 = arith.constant 0 : index
    %get3A_28 = vector.load %arg9[%get3A_26, %get3A_27] : memref<1x128xf32, #tpu.memory_space<vmem>>, vector<1x128xf32>
    %add3A_29 = vector.broadcast %get3A_28 : vector<1x128xf32> to vector<6400x128xf32>
    %add3A_30 = arith.addf %dot_general3A_25, %add3A_29 : vector<6400x128xf32>
    %get3A_31 = arith.constant 0 : index
    %get3A_32 = arith.constant 0 : index
    %get3A_33 = vector.load %arg4[%get3A_31, %get3A_32] : memref<6400x128xi32, #tpu.memory_space<vmem>>, vector<6400x128xi32>
    %shift_left3A = arith.constant 16 : i32
    %shift_left3A_34 = vector.broadcast %shift_left3A : i32 to vector<6400x128xi32>
    %shift_left3A_35 = arith.shli %get3A_33, %shift_left3A_34 : vector<6400x128xi32>
    %bitcast_convert_type3A_36 = tpu.bitcast %shift_left3A_35 : vector<6400x128xi32> -> vector<6400x128xf32>
    %get3A_37 = arith.constant 0 : index
    %get3A_38 = arith.constant 0 : index
    %get3A_39 = vector.load %arg3[%get3A_37, %get3A_38] : memref<400x128xf32, #tpu.memory_space<vmem>>, vector<400x128xf32>
    %broadcast_in_dim3A_40 = vector.shape_cast %get3A_39 : vector<400x128xf32> to vector<400x1x128xf32>
    %broadcast_in_dim3A_41 = vector.shape_cast %broadcast_in_dim3A_40 : vector<400x1x128xf32> to vector<400x1x128xf32>
    %broadcast_in_dim3A_42 = vector.broadcast %broadcast_in_dim3A_41 : vector<400x1x128xf32> to vector<400x16x128xf32>
    %reshape3A_43 = vector.shape_cast %broadcast_in_dim3A_42 : vector<400x16x128xf32> to vector<6400x128xf32>
    %sub3A_44 = arith.subf %reshape3A_43, %bitcast_convert_type3A_36 : vector<6400x128xf32>
    %add3A_45 = arith.addf %sub3A_44, %add3A_30 : vector<6400x128xf32>
    %get3A_46 = arith.constant 0 : index
    %get3A_47 = arith.constant 0 : index
    %get3A_48 = vector.load %arg10[%get3A_46, %get3A_47] : memref<128x128xf32, #tpu.memory_space<vmem>>, vector<128x128xf32>
    %dot_general3A_49 = arith.constant dense<0.000000e+00> : vector<6400x128xf32>
    %dot_general3A_50 = tpu.matmul %add3A_45, %get3A_48, %dot_general3A_49 {dimension_numbers = #tpu.dot_dimension_numbers<[1], [0], [0], [1], [0, 0, 1, 1], [], []>, precision = #tpu.contract_precision<fp32>, transpose_lhs_hint = false} : vector<6400x128xf32>, vector<128x128xf32>, vector<6400x128xf32> -> vector<6400x128xf32>
    %get3A_51 = arith.constant 0 : index
    %get3A_52 = arith.constant 0 : index
    %get3A_53 = vector.load %arg11[%get3A_51, %get3A_52] : memref<1x128xf32, #tpu.memory_space<vmem>>, vector<1x128xf32>
    %add3A_54 = vector.broadcast %get3A_53 : vector<1x128xf32> to vector<6400x128xf32>
    %add3A_55 = arith.addf %dot_general3A_50, %add3A_54 : vector<6400x128xf32>
    %get3A_56 = arith.constant 0 : index
    %get3A_57 = arith.constant 0 : index
    %get3A_58 = vector.load %arg12[%get3A_56, %get3A_57] : memref<1x128xf32, #tpu.memory_space<vmem>>, vector<1x128xf32>
    %mul3A_59 = vector.broadcast %get3A_58 : vector<1x128xf32> to vector<6400x128xf32>
    %mul3A_60 = arith.mulf %add3A_55, %mul3A_59 : vector<6400x128xf32>
    %get3A_61 = arith.constant 0 : index
    %get3A_62 = arith.constant 0 : index
    %get3A_63 = vector.load %arg13[%get3A_61, %get3A_62] : memref<1x128xf32, #tpu.memory_space<vmem>>, vector<1x128xf32>
    %add3A_64 = vector.broadcast %get3A_63 : vector<1x128xf32> to vector<6400x128xf32>
    %add3A_65 = arith.addf %mul3A_60, %add3A_64 : vector<6400x128xf32>
    %max3A_66 = arith.constant 0.000000e+00 : f32
    %max3A_67 = vector.broadcast %max3A_66 : f32 to vector<6400x128xf32>
    %max3A_68 = arith.maximumf %add3A_65, %max3A_67 : vector<6400x128xf32>
    %get3A_69 = arith.constant 0 : index
    %get3A_70 = arith.constant 0 : index
    %get3A_71 = vector.load %arg14[%get3A_69, %get3A_70] : memref<128x128xf32, #tpu.memory_space<vmem>>, vector<128x128xf32>
    %dot_general3A_72 = arith.constant dense<0.000000e+00> : vector<6400x128xf32>
    %dot_general3A_73 = tpu.matmul %max3A_68, %get3A_71, %dot_general3A_72 {dimension_numbers = #tpu.dot_dimension_numbers<[1], [0], [0], [1], [0, 0, 1, 1], [], []>, precision = #tpu.contract_precision<fp32>, transpose_lhs_hint = false} : vector<6400x128xf32>, vector<128x128xf32>, vector<6400x128xf32> -> vector<6400x128xf32>
    %get3A_74 = arith.constant 0 : index
    %get3A_75 = arith.constant 0 : index
    %get3A_76 = vector.load %arg15[%get3A_74, %get3A_75] : memref<1x128xf32, #tpu.memory_space<vmem>>, vector<1x128xf32>
    %add3A_77 = vector.broadcast %get3A_76 : vector<1x128xf32> to vector<6400x128xf32>
    %add3A_78 = arith.addf %dot_general3A_73, %add3A_77 : vector<6400x128xf32>
    %reshape3A_79 = vector.shape_cast %add3A_78 : vector<6400x128xf32> to vector<400x16x128xf32>
    %reduce_max3A = arith.constant dense<0xFF800000> : vector<400x128xf32>
    %reduce_max3A_80 = vector.multi_reduction <maximumf>, %reshape3A_79, %reduce_max3A [1] : vector<400x16x128xf32> to vector<400x128xf32>
    %broadcast_in_dim3A_81 = vector.shape_cast %reduce_max3A_80 : vector<400x128xf32> to vector<400x1x128xf32>
    %sub3A_82 = vector.broadcast %broadcast_in_dim3A_81 : vector<400x1x128xf32> to vector<400x16x128xf32>
    %sub3A_83 = arith.subf %reshape3A_79, %sub3A_82 : vector<400x16x128xf32>
    %exp3A = math.exp %sub3A_83 : vector<400x16x128xf32>
    %reduce_sum3A = arith.constant dense<0.000000e+00> : vector<400x128xf32>
    %reduce_sum3A_84 = vector.multi_reduction <add>, %exp3A, %reduce_sum3A [1] : vector<400x16x128xf32> to vector<400x128xf32>
    %broadcast_in_dim3A_85 = vector.shape_cast %reduce_sum3A_84 : vector<400x128xf32> to vector<400x1x128xf32>
    %add3A_86 = arith.constant 1.000000e-16 : f32
    %add3A_87 = vector.broadcast %add3A_86 : f32 to vector<400x1x128xf32>
    %add3A_88 = arith.addf %broadcast_in_dim3A_85, %add3A_87 : vector<400x1x128xf32>
    %div3A = vector.broadcast %add3A_88 : vector<400x1x128xf32> to vector<400x16x128xf32>
    %div3A_89 = arith.divf %exp3A, %div3A : vector<400x16x128xf32>
    %get3A_90 = arith.constant 0 : index
    %get3A_91 = arith.constant 0 : index
    %get3A_92 = vector.load %arg4[%get3A_90, %get3A_91] : memref<6400x128xi32, #tpu.memory_space<vmem>>, vector<6400x128xi32>
    %and3A = arith.constant -65536 : i32
    %and3A_93 = vector.broadcast %and3A : i32 to vector<6400x128xi32>
    %and3A_94 = arith.andi %get3A_92, %and3A_93 : vector<6400x128xi32>
    %bitcast_convert_type3A_95 = tpu.bitcast %and3A_94 : vector<6400x128xi32> -> vector<6400x128xf32>
    %add3A_96 = arith.addf %bitcast_convert_type3A_95, %add3A_30 : vector<6400x128xf32>
    %reshape3A_97 = vector.shape_cast %add3A_96 : vector<6400x128xf32> to vector<400x16x128xf32>
    %mul3A_98 = arith.mulf %div3A_89, %reshape3A_97 : vector<400x16x128xf32>
    %reduce_sum3A_99 = arith.constant dense<0.000000e+00> : vector<400x128xf32>
    %reduce_sum3A_100 = vector.multi_reduction <add>, %mul3A_98, %reduce_sum3A_99 [1] : vector<400x16x128xf32> to vector<400x128xf32>
    %get3A_101 = arith.constant 0 : index
    %get3A_102 = arith.constant 0 : index
    %get3A_103 = vector.load %arg16[%get3A_101, %get3A_102] : memref<128x128xf32, #tpu.memory_space<vmem>>, vector<128x128xf32>
    %dot_general3A_104 = arith.constant dense<0.000000e+00> : vector<400x128xf32>
    %dot_general3A_105 = tpu.matmul %reduce_sum3A_100, %get3A_103, %dot_general3A_104 {dimension_numbers = #tpu.dot_dimension_numbers<[1], [0], [0], [1], [0, 0, 1, 1], [], []>, precision = #tpu.contract_precision<fp32>, transpose_lhs_hint = false} : vector<400x128xf32>, vector<128x128xf32>, vector<400x128xf32> -> vector<400x128xf32>
    %get3A_106 = arith.constant 0 : index
    %get3A_107 = arith.constant 0 : index
    %get3A_108 = vector.load %arg17[%get3A_106, %get3A_107] : memref<1x128xf32, #tpu.memory_space<vmem>>, vector<1x128xf32>
    %add3A_109 = vector.broadcast %get3A_108 : vector<1x128xf32> to vector<400x128xf32>
    %add3A_110 = arith.addf %dot_general3A_105, %add3A_109 : vector<400x128xf32>
    %swap3A = arith.constant 0 : index
    %swap3A_111 = arith.constant 0 : index
    %swap3A_112 = vector.load %arg18[%swap3A, %swap3A_111] : memref<400x128xf32, #tpu.memory_space<vmem>>, vector<400x128xf32>
    tpu.vector_store %arg18[%swap3A, %swap3A_111], %add3A_110 {strides = array<i32>} : memref<400x128xf32, #tpu.memory_space<vmem>>, vector<400x128xf32>,
    return
  }
  func.func @transform_0(%arg0: i32) -> (i32, i32) {
    %c0_i32 = arith.constant 0 : i32
    %c0_i32_0 = arith.constant 0 : i32
    return %arg0, %c0_i32 : i32, i32
  }
  func.func @transform_1(%arg0: i32) -> (i32, i32) {
    %c1_i32 = arith.constant 1 : i32
    %c0_i32 = arith.constant 0 : i32
    return %arg0, %c1_i32 : i32, i32
  }
  func.func @transform_2(%arg0: i32) -> (i32, i32) {
    %c0_i32 = arith.constant 0 : i32
    %c0_i32_0 = arith.constant 0 : i32
    return %arg0, %c0_i32 : i32, i32
  }
  func.func @transform_3(%arg0: i32) -> (i32, i32) {
    %c0_i32 = arith.constant 0 : i32
    %c0_i32_0 = arith.constant 0 : i32
    return %arg0, %c0_i32 : i32, i32
  }
  func.func @transform_4(%arg0: i32) -> (i32, i32) {
    %c0_i32 = arith.constant 0 : i32
    %c0_i32_0 = arith.constant 0 : i32
    %c0_i32_1 = arith.constant 0 : i32
    return %c0_i32, %c0_i32_0 : i32, i32
  }
  func.func @transform_5(%arg0: i32) -> (i32, i32) {
    %c0_i32 = arith.constant 0 : i32
    %c0_i32_0 = arith.constant 0 : i32
    %c0_i32_1 = arith.constant 0 : i32
    return %c0_i32, %c0_i32_0 : i32, i32
  }
  func.func @transform_6(%arg0: i32) -> (i32, i32) {
    %c0_i32 = arith.constant 0 : i32
    %c0_i32_0 = arith.constant 0 : i32
    %c0_i32_1 = arith.constant 0 : i32
    return %c0_i32, %c0_i32_0 : i32, i32
  }
  func.func @transform_7(%arg0: i32) -> (i32, i32) {
    %c0_i32 = arith.constant 0 : i32
    %c0_i32_0 = arith.constant 0 : i32
    %c0_i32_1 = arith.constant 0 : i32
    return %c0_i32, %c0_i32_0 : i32, i32
  }
  func.func @transform_8(%arg0: i32) -> (i32, i32) {
    %c0_i32 = arith.constant 0 : i32
    %c0_i32_0 = arith.constant 0 : i32
    %c0_i32_1 = arith.constant 0 : i32
    return %c0_i32, %c0_i32_0 : i32, i32
  }
  func.func @transform_9(%arg0: i32) -> (i32, i32) {
    %c0_i32 = arith.constant 0 : i32
    %c0_i32_0 = arith.constant 0 : i32
    %c0_i32_1 = arith.constant 0 : i32
    return %c0_i32, %c0_i32_0 : i32, i32
  }
  func.func @transform_10(%arg0: i32) -> (i32, i32) {
    %c0_i32 = arith.constant 0 : i32
    %c0_i32_0 = arith.constant 0 : i32
    %c0_i32_1 = arith.constant 0 : i32
    return %c0_i32, %c0_i32_0 : i32, i32
  }
  func.func @transform_11(%arg0: i32) -> (i32, i32) {
    %c0_i32 = arith.constant 0 : i32
    %c0_i32_0 = arith.constant 0 : i32
    %c0_i32_1 = arith.constant 0 : i32
    return %c0_i32, %c0_i32_0 : i32, i32
  }
  func.func @transform_12(%arg0: i32) -> (i32, i32) {
    %c0_i32 = arith.constant 0 : i32
    %c0_i32_0 = arith.constant 0 : i32
    %c0_i32_1 = arith.constant 0 : i32
    return %c0_i32, %c0_i32_0 : i32, i32
  }
  func.func @transform_13(%arg0: i32) -> (i32, i32) {
    %c0_i32 = arith.constant 0 : i32
    %c0_i32_0 = arith.constant 0 : i32
    %c0_i32_1 = arith.constant 0 : i32
    return %c0_i32, %c0_i32_0 : i32, i32
  }
  func.func @transform_14(%arg0: i32) -> (i32, i32) {
    %c0_i32 = arith.constant 0 : i32
    %c0_i32_0 = arith.constant 0 : i32
    %c0_i32_1 = arith.constant 0 : i32
    return %c0_i32, %c0_i32_0 : i32, i32
  }
  func.func @transform_15(%arg0: i32) -> (i32, i32) {
    %c0_i32 = arith.constant 0 : i32
    %c0_i32_0 = arith.constant 0 : i32
    %c0_i32_1 = arith.constant 0 : i32
    return %c0_i32, %c0_i32_0 : i32, i32
  }
  func.func @transform_16(%arg0: i32) -> (i32, i32) {
    %c0_i32 = arith.constant 0 : i32
    %c0_i32_0 = arith.constant 0 : i32
    %c0_i32_1 = arith.constant 0 : i32
    return %c0_i32, %c0_i32_0 : i32, i32
  }
  func.func @transform_17(%arg0: i32) -> (i32, i32) {
    %c0_i32 = arith.constant 0 : i32
    %c0_i32_0 = arith.constant 0 : i32
    return %arg0, %c0_i32 : i32, i32
  }
}

</mosaic_0001>

<sc_bundles>
// kernel: kernel.8.cloned.1.call-start
scs
__scs_entry_jumppad:
0x0: {  	(pc) =	sbr.rel $0x88, $3  }
0x1: {  	(tag) =	ssettag $0x0;
	lr =	simm.s32 $0x1  }
0x2: {  	[smem:$0x3F8B] =	sst lr;
	_ =	strace $0xD0000000  }
0x3: {  	_ = 	snop  }
0x4: {  	_ = 	snop  }
0x5: {  	_ = 	snop  }
0x6: {  	_ = 	snop  }
0x7: {  	_ = 	snop  }
__scs_overlays_trampoline_lowered:
0x8: {  	[smem:$0x3F9A] =	sst s0  }
0x9: {  	[smem:$0x3F9B] =	sst s1  }
0xa: {  	[smem:$0x3F9C] =	sst s2  }
0xb: {  	[smem:$0x3F9D] =	sst s3  }
0xc: {  	[smem:$0x3F9E] =	sst s4  }
0xd: {  	[smem:$0x3F9F] =	sst s5  }
0xe: {  	[smem:$0x3FA0] =	sst s6  }
0xf: {  	[smem:$0x3FA1] =	sst s7  }
0x10: {  	[smem:$0x3FA2] =	sst s8  }
0x11: {  	[smem:$0x3FA3] =	sst s9;
	s0 =	simm.s32 @!p0 $0x0  }
0x12: {  	s1 =	sld [smem:$0x3F89];
	s0 =	simm.s32 @p0 $0x1  }
0x13: {  	[smem:$0x3FA4] =	sst s0;
	s0 =	simm.s32 @!p1 $0x0  }
0x14: {  	s2 =	sld [smem:$0x3F88];
	s0 =	simm.s32 @p1 $0x1  }
0x15: {  	[smem:$0x3FA5] =	sst s0;
	s0 =	simm.s32 @!p2 $0x0  }
0x16: {  	s3 =	sld [smem:$0x3FDB];
	s0 =	simm.s32 @p2 $0x1  }
0x17: {  	s4 =	simm.s32 $0x1BF5;
	[smem:$0x3FA7] =	sst s0  }
0x18: {  	s0 =	sld [smem:$0x3F8A];
	_ =	swait.ge [sflag:s4], $0x0  }
0x19: {  	s7 =	sld [smem:$0x3F8B]  }
0x1a: {  	s8 =	sadd.s32 $0xFFFFE003, lr  }
0x1b: {  	s9 =	sadd.s32 $0xFFFFFEF7, lr;
	s5 =	simm.s32 $0xFFFFFFFF;
	p2 =	slt.u32 s8, $0xFFFFF086  }
0x1c: {  	p1 =	slt.u32 s9, $0xF7A;
	s5 =	simm.s32 @!p2 $0x0  }
0x1d: {  	s5 =	simm.s32 @p1 $0x1;
	p0 =	seq.s32 s7, s2  }
0x1e: {  	s7 =	smul.u32 @!p0 $0xF7A, s2;
	p2 =	seq.s32 @!p0 s5, $0x0  }
0x1f: {  	s9 =	smul.u32 $0xF7A, s1;
	s8 =	simm.s32 @!p0 $0x1BF5;
	p2 =	por !p2, p0  }
0x20: {  	[sflag:s8] =	ssyncset.s32 @!p0 $0xFFFFF086;
	s6 =	sadd.s32 @!p0 s3, s7;
	s7 =	simm.s32 @!p0 $0x108  }
0x21: {  	s3 =	sadd.s32 s3, s9;
	s6 =	sadd.s32 @!p0 $0x88, s6;
	s7 =	simm.s32 @p2 $0x1082  }
0x22: {  	[simem:s7], [sflag:s8] =	dma.local @!p0 [hbm:s6], $0xF7A  }
0x23: {  	s9 =	sor.u32 $0xD0000000, s2;
	s6 =	simm.s32 $0x108;
	_ =	swait.ge @!p0 [sflag:s8], $0x0  }
0x24: {  	s3 =	sadd.s32 $0x88, s3;
	s6 =	simm.s32 @!p1 $0x1082;
	[sflag:s4] =	ssyncset.s32 $0xFFFFF086  }
0x25: {  	[simem:s6], [sflag:s4] =	dma.local [hbm:s3], $0xF7A  }
0x26: {  	[smem:$0x3F8B] =	sst s1;
	(tag) =	ssettag s2;
	_ =	strace s9  }
0x27: {  	s1 =	sld [smem:$0x3F9B]  }
0x28: {  	s2 =	sld [smem:$0x3F9C]  }
0x29: {  	s4 =	sld [smem:$0x3F9E]  }
0x2a: {  	p0 =	seq.s32 s5, $0x0;
	s5 =	sld [smem:$0x3F9F]  }
0x2b: {  	s6 =	sld [smem:$0x3FA0]  }
0x2c: {  	s7 =	sld [smem:$0x3FA1]  }
0x2d: {  	s3 =	simm.s32 $0x108;
	s8 =	sld [smem:$0x3FA2]  }
0x2e: {  	s3 =	simm.s32 @!p0 $0x1082;
	s9 =	sld [smem:$0x3FA3]  }
0x2f: {  	lr =	sadd.s32 s0, s3;
	s0 =	sld [smem:$0x3F9A]  }
0x30: {  	s3 =	sld [smem:$0x3F9D]  }
0x31: {  	[smem:$0x3FA6] =	sst s10  }
0x32: {  	s10 =	sld [smem:$0x3FA4];
	_ =	sdelay $0x3  }
0x33: {  	p0 =	seq.s32 s10, $0x1;
	s10 =	sld [smem:$0x3FA6];
	_ =	sdelay $0x3  }
0x34: {  	[smem:$0x3FA6] =	sst s10  }
0x35: {  	s10 =	sld [smem:$0x3FA5];
	_ =	sdelay $0x3  }
0x36: {  	p1 =	seq.s32 s10, $0x1;
	s10 =	sld [smem:$0x3FA6];
	_ =	sdelay $0x3  }
0x37: {  	[smem:$0x3FA6] =	sst s10  }
0x38: {  	s10 =	sld [smem:$0x3FA7]  }
0x39: {  	_ = 	snop;
	(pc) =	sbr.ind lr, $3  }
0x3a: {  	_ = 	snop  }
0x3b: {  	_ = 	snop  }
0x3c: {  	p2 =	seq.s32 s10, $0x1;
	s10 =	sld [smem:$0x3FA6]  }
0x3d: {  	_ =	shalt  }
0x3e: {  	_ =	shalt  }
0x3f: {  	_ =	shalt  }
0x40: {  	_ =	shalt  }
0x41: {  	_ =	shalt  }
0x42: {  	_ =	shalt  }
0x43: {  	_ =	shalt  }
0x44: {  	_ =	shalt  }
0x45: {  	_ =	shalt  }
0x46: {  	_ =	shalt  }
0x47: {  	_ =	shalt  }
0x48: {  	_ =	shalt  }
0x49: {  	_ =	shalt  }
0x4a: {  	_ =	shalt  }
0x4b: {  	_ =	shalt  }
0x4c: {  	_ =	shalt  }
0x4d: {  	_ =	shalt  }
0x4e: {  	_ =	shalt  }
0x4f: {  	_ =	shalt  }
0x50: {  	_ =	shalt  }
0x51: {  	_ =	shalt  }
0x52: {  	_ =	shalt  }
0x53: {  	_ =	shalt  }
0x54: {  	_ =	shalt  }
0x55: {  	_ =	shalt  }
0x56: {  	_ =	shalt  }
0x57: {  	_ =	shalt  }
0x58: {  	_ =	shalt  }
0x59: {  	_ =	shalt  }
0x5a: {  	_ =	shalt  }
0x5b: {  	_ =	shalt  }
0x5c: {  	_ =	shalt  }
0x5d: {  	_ =	shalt  }
0x5e: {  	_ =	shalt  }
0x5f: {  	_ =	shalt  }
0x60: {  	_ =	shalt  }
0x61: {  	_ =	shalt  }
0x62: {  	_ =	shalt  }
0x63: {  	_ =	shalt  }
0x64: {  	_ =	shalt  }
0x65: {  	_ =	shalt  }
0x66: {  	_ =	shalt  }
0x67: {  	_ =	shalt  }
0x68: {  	_ =	shalt  }
0x69: {  	_ =	shalt  }
0x6a: {  	_ =	shalt  }
0x6b: {  	_ =	shalt  }
0x6c: {  	_ =	shalt  }
0x6d: {  	_ =	shalt  }
0x6e: {  	_ =	shalt  }
0x6f: {  	_ =	shalt  }
0x70: {  	_ =	shalt  }
0x71: {  	_ =	shalt  }
0x72: {  	_ =	shalt  }
0x73: {  	_ =	shalt  }
0x74: {  	_ =	shalt  }
0x75: {  	_ =	shalt  }
0x76: {  	_ =	shalt  }
0x77: {  	_ =	shalt  }
0x78: {  	_ =	shalt  }
0x79: {  	_ =	shalt  }
0x7a: {  	_ =	shalt  }
0x7b: {  	_ =	shalt  }
0x7c: {  	_ =	shalt  }
0x7d: {  	_ =	shalt  }
0x7e: {  	_ =	shalt  }
0x7f: {  	_ =	shalt  }
0x80: {  	_ =	shalt  }
0x81: {  	_ =	shalt  }
0x82: {  	_ =	shalt  }
0x83: {  	_ =	shalt  }
0x84: {  	_ =	shalt  }
0x85: {  	_ =	shalt  }
0x86: {  	_ =	shalt  }
0x87: {  	_ =	shalt  }
.Lfunc_end0:
.L_simem_size_0:
called_computation_lowered:
.L_overlay_start_0:
0x88: {  	s2 =	sld [smem:$0x3FD9]  }
0x89: {  	s3 =	sld [smem:$0x3FFE];
	_ =	sdelay $0x1  }
0x8a: {  	s1 =	srdreg.scid  }
0x8b: {  	s0 =	sand.u32 $0x1, s1  }
0x8c: {  	s16 =	sshll.u32 s0, $0xA;
	s2 =	sadd.s32 s3, s2  }
0x8d: {  	s2 =	sadd.s32 s2, s16  }
0x8e: {  	[smem:$0x3FB2] =	sst s2  }
0x8f: {  	_ = 	snop  }
0x90: {  	(tm) =	ssettm $0x1  }
0x91: {  	s17 =	sld [smem:$0x3FFB];
	_ =	sdelay $0x3  }
0x92: {  	_ =	strace s17  }
0x93: {  	s2 =	sld [smem:$0x3FFC];
	_ =	sdelay $0x3  }
0x94: {  	_ =	strace s2  }
0x95: {  	s2 =	sld [smem:$0x3FFD];
	_ =	sdelay $0x3  }
0x96: {  	_ =	strace s2  }
0x97: {  	_ =	strace $0x8FFFFFFF  }
0x98: {  	s18 =	sld [smem:$0x3FDB];
	_ =	sdelay $0x1  }
0x99: {  	s19 =	simm.s32 $_scs_section_size  }
0x9a: {  	s4 =	simm.s32 $_size__tile_overlayer_lowered;
	s5 =	simm.s32 $_tile_overlayer_lowered  }
0x9b: {  	s22 =	simm.s32 $0x1BFF;
	s21 =	sshll.u32 s5, $0x1;
	s2 =	sadd.s32 s19, s18  }
0x9c: {  	s6 =	simm.s32 $0x0;
	s20 =	sshll.u32 s4, $0x1;
	s4 =	sadd.s32 s21, s2  }
0x9d: {  	[timem:s6], [sflag:s22] =	dma.local [hbm:s4], s20  }
0x9e: {  	_ =	swait.ge [sflag:s22], s20  }
0x9f: {  	s3 =	ssub.s32 $0x0, s20;
	[sflag:s22] =	ssyncset.done $0x0  }
0xa0: {  	[sflag:s22] =	ssyncadd.s32 s3;
	_ =	sdelay $0x1  }
0xa1: {  	s23 =	simm.s32 $0x1B8B  }
0xa2: {  	_ =	swait.ge [sflag:s23], $0x1  }
0xa3: {  	[sflag:s23] =	ssyncset.done $0x0  }
0xa4: {  	s25 =	simm.s32 $0x1B8E;
	s24 =	sld [smem:$0x3FFE];
	[sflag:s23] =	ssyncadd.s32 $0xFFFFFFFF  }
0xa5: {  	s26 =	simm.s32 $execute0_lowered;
	[smem:$0x3FD2] =	sst s25  }
0xa6: {  	s4 =	sshll.u32 s26, $0x1;
	_ =	strace $0x80000046;
	[dreg:$0x1] =	wrdreg $0xFFFFFFFF  }
0xa7: {  	s28 =	simm.s32 $_size_execute0_lowered;
	s2 =	sadd.s32 s2, s4;
	[dreg:$0x0] =	wrdreg $0x0  }
0xa8: {  	s4 =	sshll.u32 s28, $0x1;
	[dreg:$0x2] =	wrdreg s2  }
0xa9: {  	[dreg:$0x3] =	wrdreg s4  }
0xaa: {  	[dreg:$0x4] =	wrdreg $0xC0  }
0xab: {  	_ =	task [dreg:s6], $0x5FFFF  }
0xac: {  	[dreg:$0x1] =	wrdreg $0xFFFFFFFF  }
0xad: {  	[dreg:$0x0] =	wrdreg $0x60  }
0xae: {  	[dreg:$0x2] =	wrdreg s24  }
0xaf: {  	[dreg:$0x3] =	wrdreg $0x9  }
0xb0: {  	_ =	task.clear_ibuf [dreg:s6], $0x4FFFF;
	_ =	strace $0x90000046  }
0xb1: {  	s29 =	simm.s32 $0x9;
	_ =	strace $0x80000048  }
0xb2: {  	_ =	swait.ge [sflag:s29], $0x1  }
0xb3: {  	[sflag:s29] =	ssyncadd.s32 $0xFFFFFFFF  }
0xb4: {  	_ =	strace $0x90000048  }
0xb5: {  	_ =	sfence  }
0xb6: {  	s30 =	sld [smem:$0x0];
	_ =	sdelay $0x2  }
0xb7: {  	s31 =	sshll.u32 s1, $0xD;
	s1 =	sshrl.u32 s1, $0x2  }
0xb8: {  	s3 =	sand.u32 $0x4000, s31;
	s1 =	sadd.s32 s1, s30  }
0xb9: {  	s0 =	sor.u32 s3, s0;
	s1 =	sshll.u32 s1, $0x11  }
0xba: {  	s0 =	sor.u32 s1, s0  }
0xbb: {  	s0 =	sadd.s32 $0x8F2B, s0  }
0xbc: {  	[sflag:s0] =	ssyncadd.remote.s32 $0x1  }
0xbd: {  	_ =	sfence.sel $0xFFFF  }
0xbe: {  	[dreg:$0x0] =	wrdreg $0xFFFFFFFF;
	(pc) =	sbr.abs _section_cstart, $3  }
0xbf: {  	[dreg:$0x1] =	wrdreg $0xFFFFFFFF  }
0xc0: {  	_ =	task.clear_ibuf [dreg:s6], $0x2FFFF;
	_ =	strace $0x9FFFFFFF  }
0xc1: {  	(tm) =	ssettm $0x7FFFFFFF  }
tec
execute0_lowered:
.L_overlay_start_1:
0x0: {  	(tag) =	ssettag $0x1  }
0x1: {  	s0 =	srdreg.scid  }
0x2: {  	s3 =	stileid.u32;
	s4 =	rddreg [dreg:$0x0]  }
0x3: {  	s2 =	simm.s32 $0x0;
	s31 =	simm.s32 $0x1400;
	s18 =	simm.s32 $0x1C00  }
0x4: {  	s20 =	simm.s32 $0x2400;
	s19 =	simm.s32 $0x2C00;
	s21 =	simm.s32 $0x3400  }
0x5: {  	s22 =	simm.s32 $0x3C00;
	s23 =	simm.s32 $0x9400;
	s13 =	simm.s32 $0x1  }
0x6: {  	s14 =	simm.s32 $0x2;
	s15 =	simm.s32 $0x3;
	s8 =	simm.s32 $0x13C00  }
0x7: {  	s9 =	simm.s32 $0x14400;
	s10 =	simm.s32 $0x14C00;
	s11 =	simm.s32 $0x15400  }
0x8: {  	s12 =	simm.s32 $0x15C00;
	s30 =	simm.s32 $0x16400;
	s24 =	simm.s32 $0x16C00  }
0x9: {  	s28 =	simm.s32 $0x18400;
	s29 =	simm.s32 $0x18C00;
	s0 =	sand.u32 $0x1, s0  }
0xa: {  	s1 =	sshll.u32 s3, $0x1;
	[smem:$0x7FF] =	sst s2;
	s5 =	smul.u32 $0x50000, s3  }
0xb: {  	s3 =	sadd.s32 $0x8600, s4;
	s1 =	sor.u32 s0, s1;
	s6 =	ssub.s32 $0x2, s0  }
0xc: {  	_ =	strace $0x80000047;
	s0 =	smul.u32 $0x28000, s0;
	s7 =	sshrl.u32 s6, $0x1  }
0xd: {  	s1 =	smul.u32 $0x280, s1;
	s5 =	sadd.s32 s5, s4;
	s25 =	ssub.s32 s6, s7  }
0xe: {  	s0 =	sadd.s32 s0, s5;
	s6 =	simm.s32 $0x4;
	s5 =	simm.s32 $0x12C00  }
0xf: {  	s7 =	simm.s32 $0x13400;
	s1 =	sadd.s32 s1, s4;
	s26 =	smax.u32 s25, $0x1  }
0x10: {  	v2 =	vlaneseq.u32;
	s0 =	sadd.s32 $0x7DA00, s0;
	s4 =	simm.s32 $0x12400;
	[dreg:$0x4] =	wrdreg s26  }
0x11: {  	vm0 =	vmmov $0xffff;
	v1 =	vshrl.u32 v2, $0x3;
	s25 =	simm.s32 $0x17400;
	s1 =	sadd.s32 $0x3600, s1;
	[dreg:$0x2] =	wrdreg s0  }
0x12: {  	v0 =	vand.u32 $0x7, v2;
	v2 =	vor.u32 $0x8, v2;
	v1 =	vmul.u32 $0x8, v1;
	s0 =	simm.s32 $0x0;
	s26 =	simm.s32 $0x17C00;
	[dreg:$0x3] =	wrdreg s1  }
.LBB2_1:
0x13: {  	[dreg:$0x5] =	wrdreg s0  }
0x14: {  	s16 =	rddreg [dreg:$0x3]  }
0x15: {  	[tilespmem:s2], [sflag:$0x4] =	stream.linear.gather [hbm4b:s16+s2], $0x1400, $0x38;
	[tilespmem:$0x19400] =	vst v63  }
0x16: {  	_ =	swait.ge [sflag:s6], $0x1400  }
0x17: {  	[sflag:s6] =	ssyncset.done $0x0  }
0x18: {  	s17 =	simm.s32 $0x0;
	s16 =	simm.s32 $0x200;
	[sflag:s6] =	ssyncadd.s32 $0xFFFFEC00  }
.LBB2_2:
0x19: {  	v3 =	vld [tilespmem:s16+$0xFFFFFE00];
	_ =	sdelay $0x4  }
0x1a: {  	v4 =	vshll.u32 v3, $0x1  }
0x1b: {  	v3 =	vand.u32 $0x7, v3;
	v4 =	vand.u32 $0xFFFFFFF0, v4  }
0x1c: {  	v3 =	vor.u32 v3, v4  }
0x1d: {  	v4 =	vperm.xlane v3, v0;
	_ =	sdelay $0x1  }
0x1e: {  	v3 =	vperm.xlane v3, v2;
	v4 =	vadd.s32 v1, v4;
	_ =	sdelay $0x1  }
0x1f: {  	v3 =	vadd.s32 v1, v3;
	_ =	sdelay $0x2  }
0x20: {  	[tilespmem:s31], [sflag:$0x1] =	stream.indirect_vreg.gather [hbm4b:s3+s2], $0x80, v4, vm0, $0xb8;
	[tilespmem:$0x19400] =	vst v63  }
0x21: {  	_ = 	snop  }
0x22: {  	[tilespmem:s18], [sflag:$0x1] =	stream.indirect_vreg.gather [hbm4b:s3+s2], $0x80, v3, vm0, $0xb8;
	[tilespmem:$0x19400] =	vst v63  }
0x23: {  	v3 =	vld [tilespmem:s16+$0xFFFFFE10];
	_ =	sdelay $0x4  }
0x24: {  	v57 =	vshll.u32 v3, $0x1  }
0x25: {  	v3 =	vand.u32 $0x7, v3;
	v4 =	vand.u32 $0xFFFFFFF0, v57  }
0x26: {  	v3 =	vor.u32 v3, v4  }
0x27: {  	v4 =	vperm.xlane v3, v0;
	_ =	sdelay $0x1  }
0x28: {  	v3 =	vperm.xlane v3, v2;
	v4 =	vadd.s32 v1, v4;
	_ =	sdelay $0x1  }
0x29: {  	v3 =	vadd.s32 v1, v3;
	_ =	sdelay $0x2  }
0x2a: {  	[tilespmem:s20], [sflag:$0x1] =	stream.indirect_vreg.gather [hbm4b:s3+s2], $0x80, v4, vm0, $0xb8;
	[tilespmem:$0x19400] =	vst v63  }
0x2b: {  	_ = 	snop  }
0x2c: {  	[tilespmem:s19], [sflag:$0x1] =	stream.indirect_vreg.gather [hbm4b:s3+s2], $0x80, v3, vm0, $0xb8;
	[tilespmem:$0x19400] =	vst v63  }
0x2d: {  	v3 =	vld [tilespmem:s16+$0xFFFFFE20];
	_ =	sdelay $0x4  }
0x2e: {  	v58 =	vshll.u32 v3, $0x1  }
0x2f: {  	v3 =	vand.u32 $0x7, v3;
	v4 =	vand.u32 $0xFFFFFFF0, v58  }
0x30: {  	v3 =	vor.u32 v3, v4  }
0x31: {  	v4 =	vperm.xlane v3, v0;
	_ =	sdelay $0x1  }
0x32: {  	v3 =	vperm.xlane v3, v2;
	v4 =	vadd.s32 v1, v4;
	_ =	sdelay $0x1  }
0x33: {  	v3 =	vadd.s32 v1, v3;
	_ =	sdelay $0x2  }
0x34: {  	[tilespmem:s21], [sflag:$0x1] =	stream.indirect_vreg.gather [hbm4b:s3+s2], $0x80, v4, vm0, $0xb8;
	[tilespmem:$0x19400] =	vst v63  }
0x35: {  	_ = 	snop  }
0x36: {  	[tilespmem:s22], [sflag:$0x1] =	stream.indirect_vreg.gather [hbm4b:s3+s2], $0x80, v3, vm0, $0xb8;
	[tilespmem:$0x19400] =	vst v63  }
0x37: {  	v3 =	vld [tilespmem:s16+$0xFFFFFE30];
	_ =	sdelay $0x4  }
0x38: {  	v59 =	vshll.u32 v3, $0x1  }
0x39: {  	v3 =	vand.u32 $0x7, v3;
	v4 =	vand.u32 $0xFFFFFFF0, v59  }
0x3a: {  	v3 =	vor.u32 v3, v4  }
0x3b: {  	v4 =	vperm.xlane v3, v0;
	_ =	sdelay $0x1  }
0x3c: {  	v3 =	vperm.xlane v3, v2;
	v4 =	vadd.s32 v1, v4;
	_ =	sdelay $0x1  }
0x3d: {  	v3 =	vadd.s32 v1, v3;
	_ =	sdelay $0x1  }
0x3e: {  	s0 =	simm.s32 $0x4400  }
0x3f: {  	[tilespmem:s0], [sflag:$0x1] =	stream.indirect_vreg.gather [hbm4b:s3+s2], $0x80, v4, vm0, $0xb8;
	[tilespmem:$0x19400] =	vst v63  }
0x40: {  	s22 =	simm.s32 $0x4C00  }
0x41: {  	[tilespmem:s22], [sflag:$0x1] =	stream.indirect_vreg.gather [hbm4b:s3+s2], $0x80, v3, vm0, $0xb8;
	[tilespmem:$0x19400] =	vst v63  }
0x42: {  	v3 =	vld [tilespmem:s16+$0xFFFFFE40];
	_ =	sdelay $0x4  }
0x43: {  	v60 =	vshll.u32 v3, $0x1  }
0x44: {  	v3 =	vand.u32 $0x7, v3;
	v4 =	vand.u32 $0xFFFFFFF0, v60  }
0x45: {  	v3 =	vor.u32 v3, v4  }
0x46: {  	v4 =	vperm.xlane v3, v0;
	_ =	sdelay $0x1  }
0x47: {  	v3 =	vperm.xlane v3, v2;
	v4 =	vadd.s32 v1, v4;
	_ =	sdelay $0x1  }
0x48: {  	v3 =	vadd.s32 v1, v3;
	_ =	sdelay $0x1  }
0x49: {  	s1 =	simm.s32 $0x5400  }
0x4a: {  	[tilespmem:s1], [sflag:$0x1] =	stream.indirect_vreg.gather [hbm4b:s3+s2], $0x80, v4, vm0, $0xb8;
	[tilespmem:$0x19400] =	vst v63  }
0x4b: {  	s18 =	simm.s32 $0x5C00  }
0x4c: {  	[tilespmem:s18], [sflag:$0x1] =	stream.indirect_vreg.gather [hbm4b:s3+s2], $0x80, v3, vm0, $0xb8;
	[tilespmem:$0x19400] =	vst v63  }
0x4d: {  	v3 =	vld [tilespmem:s16+$0xFFFFFE50];
	_ =	sdelay $0x4  }
0x4e: {  	v61 =	vshll.u32 v3, $0x1  }
0x4f: {  	v3 =	vand.u32 $0x7, v3;
	v4 =	vand.u32 $0xFFFFFFF0, v61  }
0x50: {  	v3 =	vor.u32 v3, v4  }
0x51: {  	v4 =	vperm.xlane v3, v0;
	_ =	sdelay $0x1  }
0x52: {  	v3 =	vperm.xlane v3, v2;
	v4 =	vadd.s32 v1, v4;
	_ =	sdelay $0x1  }
0x53: {  	v3 =	vadd.s32 v1, v3;
	_ =	sdelay $0x1  }
0x54: {  	s19 =	simm.s32 $0x6400  }
0x55: {  	[tilespmem:s19], [sflag:$0x1] =	stream.indirect_vreg.gather [hbm4b:s3+s2], $0x80, v4, vm0, $0xb8;
	[tilespmem:$0x19400] =	vst v63  }
0x56: {  	s20 =	simm.s32 $0x6C00  }
0x57: {  	[tilespmem:s20], [sflag:$0x1] =	stream.indirect_vreg.gather [hbm4b:s3+s2], $0x80, v3, vm0, $0xb8;
	[tilespmem:$0x19400] =	vst v63  }
0x58: {  	v3 =	vld [tilespmem:s16+$0xFFFFFE60];
	_ =	sdelay $0x4  }
0x59: {  	v62 =	vshll.u32 v3, $0x1  }
0x5a: {  	v3 =	vand.u32 $0x7, v3;
	v4 =	vand.u32 $0xFFFFFFF0, v62  }
0x5b: {  	v3 =	vor.u32 v3, v4  }
0x5c: {  	v4 =	vperm.xlane v3, v0;
	_ =	sdelay $0x1  }
0x5d: {  	v3 =	vperm.xlane v3, v2;
	v4 =	vadd.s32 v1, v4;
	_ =	sdelay $0x1  }
0x5e: {  	v3 =	vadd.s32 v1, v3;
	_ =	sdelay $0x1  }
0x5f: {  	s21 =	simm.s32 $0x7400  }
0x60: {  	[tilespmem:s21], [sflag:$0x1] =	stream.indirect_vreg.gather [hbm4b:s3+s2], $0x80, v4, vm0, $0xb8;
	[tilespmem:$0x19400] =	vst v63  }
0x61: {  	s22 =	simm.s32 $0x7C00  }
0x62: {  	[tilespmem:s22], [sflag:$0x1] =	stream.indirect_vreg.gather [hbm4b:s3+s2], $0x80, v3, vm0, $0xb8;
	[tilespmem:$0x19400] =	vst v63  }
0x63: {  	v3 =	vld [tilespmem:s16+$0xFFFFFE70];
	_ =	sdelay $0x4  }
0x64: {  	v63 =	vshll.u32 v3, $0x1  }
0x65: {  	v3 =	vand.u32 $0x7, v3;
	v4 =	vand.u32 $0xFFFFFFF0, v63  }
0x66: {  	v3 =	vor.u32 v3, v4  }
0x67: {  	v4 =	vperm.xlane v3, v0;
	_ =	sdelay $0x1  }
0x68: {  	v3 =	vperm.xlane v3, v2;
	v4 =	vadd.s32 v1, v4;
	_ =	sdelay $0x1  }
0x69: {  	v3 =	vadd.s32 v1, v3;
	_ =	sdelay $0x1  }
0x6a: {  	s1 =	simm.s32 $0x8400  }
0x6b: {  	[tilespmem:s1], [sflag:$0x1] =	stream.indirect_vreg.gather [hbm4b:s3+s2], $0x80, v4, vm0, $0xb8;
	[tilespmem:$0x19400] =	vst v63  }
0x6c: {  	s18 =	simm.s32 $0x8C00  }
0x6d: {  	[tilespmem:s18], [sflag:$0x1] =	stream.indirect_vreg.gather [hbm4b:s3+s2], $0x80, v3, vm0, $0xb8;
	[tilespmem:$0x19400] =	vst v63  }
0x6e: {  	v3 =	vld [tilespmem:s16+$0xFFFFFE80];
	_ =	sdelay $0x4  }
0x6f: {  	v8 =	vshll.u32 v3, $0x1  }
0x70: {  	v3 =	vand.u32 $0x7, v3;
	v4 =	vand.u32 $0xFFFFFFF0, v8  }
0x71: {  	v3 =	vor.u32 v3, v4  }
0x72: {  	v4 =	vperm.xlane v3, v0;
	_ =	sdelay $0x1  }
0x73: {  	v3 =	vperm.xlane v3, v2;
	v4 =	vadd.s32 v1, v4;
	_ =	sdelay $0x1  }
0x74: {  	v3 =	vadd.s32 v1, v3;
	_ =	sdelay $0x2  }
0x75: {  	[tilespmem:s23], [sflag:$0x2] =	stream.indirect_vreg.gather [hbm4b:s3+s2], $0x80, v4, vm0, $0xb8;
	[tilespmem:$0x19400] =	vst v63  }
0x76: {  	s19 =	simm.s32 $0x9C00  }
0x77: {  	[tilespmem:s19], [sflag:$0x2] =	stream.indirect_vreg.gather [hbm4b:s3+s2], $0x80, v3, vm0, $0xb8;
	[tilespmem:$0x19400] =	vst v63  }
0x78: {  	v3 =	vld [tilespmem:s16+$0xFFFFFE90];
	_ =	sdelay $0x4  }
0x79: {  	v9 =	vshll.u32 v3, $0x1  }
0x7a: {  	v3 =	vand.u32 $0x7, v3;
	v4 =	vand.u32 $0xFFFFFFF0, v9  }
0x7b: {  	v3 =	vor.u32 v3, v4  }
0x7c: {  	v4 =	vperm.xlane v3, v0;
	_ =	sdelay $0x1  }
0x7d: {  	v3 =	vperm.xlane v3, v2;
	v4 =	vadd.s32 v1, v4;
	_ =	sdelay $0x1  }
0x7e: {  	v3 =	vadd.s32 v1, v3;
	_ =	sdelay $0x1  }
0x7f: {  	s20 =	simm.s32 $0xA400  }
0x80: {  	[tilespmem:s20], [sflag:$0x2] =	stream.indirect_vreg.gather [hbm4b:s3+s2], $0x80, v4, vm0, $0xb8;
	[tilespmem:$0x19400] =	vst v63  }
0x81: {  	s1 =	simm.s32 $0xAC00  }
0x82: {  	[tilespmem:s1], [sflag:$0x2] =	stream.indirect_vreg.gather [hbm4b:s3+s2], $0x80, v3, vm0, $0xb8;
	[tilespmem:$0x19400] =	vst v63  }
0x83: {  	v3 =	vld [tilespmem:s16+$0xFFFFFEA0];
	_ =	sdelay $0x4  }
0x84: {  	v10 =	vshll.u32 v3, $0x1  }
0x85: {  	v3 =	vand.u32 $0x7, v3;
	v4 =	vand.u32 $0xFFFFFFF0, v10  }
0x86: {  	v3 =	vor.u32 v3, v4  }
0x87: {  	v4 =	vperm.xlane v3, v0;
	_ =	sdelay $0x1  }
0x88: {  	v3 =	vperm.xlane v3, v2;
	v4 =	vadd.s32 v1, v4;
	_ =	sdelay $0x1  }
0x89: {  	v3 =	vadd.s32 v1, v3;
	_ =	sdelay $0x1  }
0x8a: {  	s21 =	simm.s32 $0xB400  }
0x8b: {  	[tilespmem:s21], [sflag:$0x2] =	stream.indirect_vreg.gather [hbm4b:s3+s2], $0x80, v4, vm0, $0xb8;
	[tilespmem:$0x19400] =	vst v63  }
0x8c: {  	s22 =	simm.s32 $0xBC00  }
0x8d: {  	[tilespmem:s22], [sflag:$0x2] =	stream.indirect_vreg.gather [hbm4b:s3+s2], $0x80, v3, vm0, $0xb8;
	[tilespmem:$0x19400] =	vst v63  }
0x8e: {  	v3 =	vld [tilespmem:s16+$0xFFFFFEB0];
	_ =	sdelay $0x4  }
0x8f: {  	v11 =	vshll.u32 v3, $0x1  }
0x90: {  	v3 =	vand.u32 $0x7, v3;
	v4 =	vand.u32 $0xFFFFFFF0, v11  }
0x91: {  	v3 =	vor.u32 v3, v4  }
0x92: {  	v4 =	vperm.xlane v3, v0;
	_ =	sdelay $0x1  }
0x93: {  	v3 =	vperm.xlane v3, v2;
	v4 =	vadd.s32 v1, v4;
	_ =	sdelay $0x1  }
0x94: {  	v3 =	vadd.s32 v1, v3;
	_ =	sdelay $0x1  }
0x95: {  	s18 =	simm.s32 $0xC400  }
0x96: {  	[tilespmem:s18], [sflag:$0x2] =	stream.indirect_vreg.gather [hbm4b:s3+s2], $0x80, v4, vm0, $0xb8;
	[tilespmem:$0x19400] =	vst v63  }
0x97: {  	s19 =	simm.s32 $0xCC00  }
0x98: {  	[tilespmem:s19], [sflag:$0x2] =	stream.indirect_vreg.gather [hbm4b:s3+s2], $0x80, v3, vm0, $0xb8;
	[tilespmem:$0x19400] =	vst v63  }
0x99: {  	v3 =	vld [tilespmem:s16+$0xFFFFFEC0];
	_ =	sdelay $0x4  }
0x9a: {  	v12 =	vshll.u32 v3, $0x1  }
0x9b: {  	v3 =	vand.u32 $0x7, v3;
	v4 =	vand.u32 $0xFFFFFFF0, v12  }
0x9c: {  	v3 =	vor.u32 v3, v4  }
0x9d: {  	v4 =	vperm.xlane v3, v0;
	_ =	sdelay $0x1  }
0x9e: {  	v3 =	vperm.xlane v3, v2;
	v4 =	vadd.s32 v1, v4;
	_ =	sdelay $0x1  }
0x9f: {  	v3 =	vadd.s32 v1, v3;
	_ =	sdelay $0x1  }
0xa0: {  	s20 =	simm.s32 $0xD400  }
0xa1: {  	[tilespmem:s20], [sflag:$0x2] =	stream.indirect_vreg.gather [hbm4b:s3+s2], $0x80, v4, vm0, $0xb8;
	[tilespmem:$0x19400] =	vst v63  }
0xa2: {  	s21 =	simm.s32 $0xDC00  }
0xa3: {  	[tilespmem:s21], [sflag:$0x2] =	stream.indirect_vreg.gather [hbm4b:s3+s2], $0x80, v3, vm0, $0xb8;
	[tilespmem:$0x19400] =	vst v63  }
0xa4: {  	v3 =	vld [tilespmem:s16+$0xFFFFFED0];
	_ =	sdelay $0x4  }
0xa5: {  	v13 =	vshll.u32 v3, $0x1  }
0xa6: {  	v3 =	vand.u32 $0x7, v3;
	v4 =	vand.u32 $0xFFFFFFF0, v13  }
0xa7: {  	v3 =	vor.u32 v3, v4  }
0xa8: {  	v4 =	vperm.xlane v3, v0;
	_ =	sdelay $0x1  }
0xa9: {  	v3 =	vperm.xlane v3, v2;
	v4 =	vadd.s32 v1, v4;
	_ =	sdelay $0x1  }
0xaa: {  	v3 =	vadd.s32 v1, v3;
	_ =	sdelay $0x1  }
0xab: {  	s22 =	simm.s32 $0xE400  }
0xac: {  	[tilespmem:s22], [sflag:$0x2] =	stream.indirect_vreg.gather [hbm4b:s3+s2], $0x80, v4, vm0, $0xb8;
	[tilespmem:$0x19400] =	vst v63  }
0xad: {  	s18 =	simm.s32 $0xEC00  }
0xae: {  	[tilespmem:s18], [sflag:$0x2] =	stream.indirect_vreg.gather [hbm4b:s3+s2], $0x80, v3, vm0, $0xb8;
	[tilespmem:$0x19400] =	vst v63  }
0xaf: {  	v3 =	vld [tilespmem:s16+$0xFFFFFEE0];
	_ =	sdelay $0x4  }
0xb0: {  	v14 =	vshll.u32 v3, $0x1  }
0xb1: {  	v3 =	vand.u32 $0x7, v3;
	v4 =	vand.u32 $0xFFFFFFF0, v14  }
0xb2: {  	v3 =	vor.u32 v3, v4  }
0xb3: {  	v4 =	vperm.xlane v3, v0;
	_ =	sdelay $0x1  }
0xb4: {  	v3 =	vperm.xlane v3, v2;
	v4 =	vadd.s32 v1, v4;
	_ =	sdelay $0x1  }
0xb5: {  	v3 =	vadd.s32 v1, v3;
	_ =	sdelay $0x1  }
0xb6: {  	s19 =	simm.s32 $0xF400  }
0xb7: {  	[tilespmem:s19], [sflag:$0x2] =	stream.indirect_vreg.gather [hbm4b:s3+s2], $0x80, v4, vm0, $0xb8;
	[tilespmem:$0x19400] =	vst v63  }
0xb8: {  	s20 =	simm.s32 $0xFC00  }
0xb9: {  	[tilespmem:s20], [sflag:$0x2] =	stream.indirect_vreg.gather [hbm4b:s3+s2], $0x80, v3, vm0, $0xb8;
	[tilespmem:$0x19400] =	vst v63  }
0xba: {  	v3 =	vld [tilespmem:s16+$0xFFFFFEF0];
	_ =	sdelay $0x4  }
0xbb: {  	v15 =	vshll.u32 v3, $0x1  }
0xbc: {  	v3 =	vand.u32 $0x7, v3;
	v4 =	vand.u32 $0xFFFFFFF0, v15  }
0xbd: {  	v3 =	vor.u32 v3, v4  }
0xbe: {  	v4 =	vperm.xlane v3, v0;
	_ =	sdelay $0x1  }
0xbf: {  	v3 =	vperm.xlane v3, v2;
	v4 =	vadd.s32 v1, v4;
	_ =	sdelay $0x1  }
0xc0: {  	v3 =	vadd.s32 v1, v3;
	_ =	sdelay $0x1  }
0xc1: {  	s21 =	simm.s32 $0x10400  }
0xc2: {  	[tilespmem:s21], [sflag:$0x2] =	stream.indirect_vreg.gather [hbm4b:s3+s2], $0x80, v4, vm0, $0xb8;
	[tilespmem:$0x19400] =	vst v63  }
0xc3: {  	s22 =	simm.s32 $0x10C00  }
0xc4: {  	[tilespmem:s22], [sflag:$0x2] =	stream.indirect_vreg.gather [hbm4b:s3+s2], $0x80, v3, vm0, $0xb8;
	[tilespmem:$0x19400] =	vst v63  }
0xc5: {  	v3 =	vld [tilespmem:s16+$0xFFFFFF00];
	_ =	sdelay $0x4  }
0xc6: {  	v16 =	vshll.u32 v3, $0x1  }
0xc7: {  	v3 =	vand.u32 $0x7, v3;
	v4 =	vand.u32 $0xFFFFFFF0, v16  }
0xc8: {  	v3 =	vor.u32 v3, v4  }
0xc9: {  	v4 =	vperm.xlane v3, v0;
	_ =	sdelay $0x1  }
0xca: {  	v3 =	vperm.xlane v3, v2;
	v4 =	vadd.s32 v1, v4;
	_ =	sdelay $0x1  }
0xcb: {  	v3 =	vadd.s32 v1, v3;
	_ =	sdelay $0x1  }
0xcc: {  	s0 =	simm.s32 $0x11400  }
0xcd: {  	[tilespmem:s0], [sflag:$0x3] =	stream.indirect_vreg.gather [hbm4b:s3+s2], $0x80, v4, vm0, $0xb8;
	[tilespmem:$0x19400] =	vst v63  }
0xce: {  	s1 =	simm.s32 $0x11C00  }
0xcf: {  	[tilespmem:s1], [sflag:$0x3] =	stream.indirect_vreg.gather [hbm4b:s3+s2], $0x80, v3, vm0, $0xb8;
	[tilespmem:$0x19400] =	vst v63  }
0xd0: {  	v3 =	vld [tilespmem:s16+$0xFFFFFF10];
	_ =	sdelay $0x4  }
0xd1: {  	v17 =	vshll.u32 v3, $0x1  }
0xd2: {  	v3 =	vand.u32 $0x7, v3;
	v4 =	vand.u32 $0xFFFFFFF0, v17  }
0xd3: {  	v3 =	vor.u32 v3, v4  }
0xd4: {  	v4 =	vperm.xlane v3, v0;
	_ =	sdelay $0x1  }
0xd5: {  	v3 =	vperm.xlane v3, v2;
	v4 =	vadd.s32 v1, v4;
	_ =	sdelay $0x1  }
0xd6: {  	v3 =	vadd.s32 v1, v3;
	_ =	sdelay $0x2  }
0xd7: {  	[tilespmem:s4], [sflag:$0x3] =	stream.indirect_vreg.gather [hbm4b:s3+s2], $0x80, v4, vm0, $0xb8;
	[tilespmem:$0x19400] =	vst v63  }
0xd8: {  	_ = 	snop  }
0xd9: {  	[tilespmem:s5], [sflag:$0x3] =	stream.indirect_vreg.gather [hbm4b:s3+s2], $0x80, v3, vm0, $0xb8;
	[tilespmem:$0x19400] =	vst v63  }
0xda: {  	v3 =	vld [tilespmem:s16+$0xFFFFFF20];
	_ =	sdelay $0x4  }
0xdb: {  	v18 =	vshll.u32 v3, $0x1  }
0xdc: {  	v3 =	vand.u32 $0x7, v3;
	v4 =	vand.u32 $0xFFFFFFF0, v18  }
0xdd: {  	v3 =	vor.u32 v3, v4  }
0xde: {  	v4 =	vperm.xlane v3, v0;
	_ =	sdelay $0x1  }
0xdf: {  	v3 =	vperm.xlane v3, v2;
	v4 =	vadd.s32 v1, v4;
	_ =	sdelay $0x1  }
0xe0: {  	v3 =	vadd.s32 v1, v3;
	_ =	sdelay $0x2  }
0xe1: {  	[tilespmem:s7], [sflag:$0x3] =	stream.indirect_vreg.gather [hbm4b:s3+s2], $0x80, v4, vm0, $0xb8;
	[tilespmem:$0x19400] =	vst v63  }
0xe2: {  	_ = 	snop  }
0xe3: {  	[tilespmem:s8], [sflag:$0x3] =	stream.indirect_vreg.gather [hbm4b:s3+s2], $0x80, v3, vm0, $0xb8;
	[tilespmem:$0x19400] =	vst v63  }
0xe4: {  	v3 =	vld [tilespmem:s16+$0xFFFFFF30];
	_ =	sdelay $0x4  }
0xe5: {  	v19 =	vshll.u32 v3, $0x1  }
0xe6: {  	v3 =	vand.u32 $0x7, v3;
	v4 =	vand.u32 $0xFFFFFFF0, v19  }
0xe7: {  	v3 =	vor.u32 v3, v4  }
0xe8: {  	v4 =	vperm.xlane v3, v0;
	_ =	sdelay $0x1  }
0xe9: {  	v3 =	vperm.xlane v3, v2;
	v4 =	vadd.s32 v1, v4;
	_ =	sdelay $0x1  }
0xea: {  	v3 =	vadd.s32 v1, v3;
	_ =	sdelay $0x2  }
0xeb: {  	[tilespmem:s9], [sflag:$0x3] =	stream.indirect_vreg.gather [hbm4b:s3+s2], $0x80, v4, vm0, $0xb8;
	[tilespmem:$0x19400] =	vst v63  }
0xec: {  	_ = 	snop  }
0xed: {  	[tilespmem:s10], [sflag:$0x3] =	stream.indirect_vreg.gather [hbm4b:s3+s2], $0x80, v3, vm0, $0xb8;
	[tilespmem:$0x19400] =	vst v63  }
0xee: {  	v3 =	vld [tilespmem:s16+$0xFFFFFF40];
	_ =	sdelay $0x4  }
0xef: {  	v20 =	vshll.u32 v3, $0x1  }
0xf0: {  	v3 =	vand.u32 $0x7, v3;
	v4 =	vand.u32 $0xFFFFFFF0, v20  }
0xf1: {  	v3 =	vor.u32 v3, v4  }
0xf2: {  	v4 =	vperm.xlane v3, v0;
	_ =	sdelay $0x1  }
0xf3: {  	v3 =	vperm.xlane v3, v2;
	v4 =	vadd.s32 v1, v4;
	_ =	sdelay $0x1  }
0xf4: {  	v3 =	vadd.s32 v1, v3;
	_ =	sdelay $0x2  }
0xf5: {  	[tilespmem:s11], [sflag:$0x3] =	stream.indirect_vreg.gather [hbm4b:s3+s2], $0x80, v4, vm0, $0xb8;
	[tilespmem:$0x19400] =	vst v63  }
0xf6: {  	_ = 	snop  }
0xf7: {  	[tilespmem:s12], [sflag:$0x3] =	stream.indirect_vreg.gather [hbm4b:s3+s2], $0x80, v3, vm0, $0xb8;
	[tilespmem:$0x19400] =	vst v63  }
0xf8: {  	v3 =	vld [tilespmem:s16+$0xFFFFFF50];
	_ =	sdelay $0x4  }
0xf9: {  	v21 =	vshll.u32 v3, $0x1  }
0xfa: {  	v3 =	vand.u32 $0x7, v3;
	v4 =	vand.u32 $0xFFFFFFF0, v21  }
0xfb: {  	v3 =	vor.u32 v3, v4  }
0xfc: {  	v4 =	vperm.xlane v3, v0;
	_ =	sdelay $0x1  }
0xfd: {  	v3 =	vperm.xlane v3, v2;
	v4 =	vadd.s32 v1, v4;
	_ =	sdelay $0x1  }
0xfe: {  	v3 =	vadd.s32 v1, v3;
	_ =	sdelay $0x2  }
0xff: {  	[tilespmem:s30], [sflag:$0x3] =	stream.indirect_vreg.gather [hbm4b:s3+s2], $0x80, v4, vm0, $0xb8;
	[tilespmem:$0x19400] =	vst v63  }
0x100: {  	_ = 	snop  }
0x101: {  	[tilespmem:s24], [sflag:$0x3] =	stream.indirect_vreg.gather [hbm4b:s3+s2], $0x80, v3, vm0, $0xb8;
	[tilespmem:$0x19400] =	vst v63  }
0x102: {  	v3 =	vld [tilespmem:s16+$0xFFFFFF60];
	_ =	sdelay $0x4  }
0x103: {  	v22 =	vshll.u32 v3, $0x1  }
0x104: {  	v3 =	vand.u32 $0x7, v3;
	v4 =	vand.u32 $0xFFFFFFF0, v22  }
0x105: {  	v3 =	vor.u32 v3, v4  }
0x106: {  	v4 =	vperm.xlane v3, v0;
	_ =	sdelay $0x1  }
0x107: {  	v3 =	vperm.xlane v3, v2;
	v4 =	vadd.s32 v1, v4;
	_ =	sdelay $0x1  }
0x108: {  	v3 =	vadd.s32 v1, v3;
	_ =	sdelay $0x2  }
0x109: {  	[tilespmem:s25], [sflag:$0x3] =	stream.indirect_vreg.gather [hbm4b:s3+s2], $0x80, v4, vm0, $0xb8;
	[tilespmem:$0x19400] =	vst v63  }
0x10a: {  	_ = 	snop  }
0x10b: {  	[tilespmem:s26], [sflag:$0x3] =	stream.indirect_vreg.gather [hbm4b:s3+s2], $0x80, v3, vm0, $0xb8;
	[tilespmem:$0x19400] =	vst v63  }
0x10c: {  	v3 =	vld [tilespmem:s16+$0xFFFFFF70];
	_ =	sdelay $0x4  }
0x10d: {  	v23 =	vshll.u32 v3, $0x1  }
0x10e: {  	v3 =	vand.u32 $0x7, v3;
	v4 =	vand.u32 $0xFFFFFFF0, v23  }
0x10f: {  	v3 =	vor.u32 v3, v4  }
0x110: {  	v4 =	vperm.xlane v3, v0;
	_ =	sdelay $0x1  }
0x111: {  	v3 =	vperm.xlane v3, v2;
	v4 =	vadd.s32 v1, v4;
	_ =	sdelay $0x1  }
0x112: {  	v3 =	vadd.s32 v1, v3;
	_ =	sdelay $0x2  }
0x113: {  	[tilespmem:s28], [sflag:$0x3] =	stream.indirect_vreg.gather [hbm4b:s3+s2], $0x80, v4, vm0, $0xb8;
	[tilespmem:$0x19400] =	vst v63  }
0x114: {  	_ = 	snop  }
0x115: {  	[tilespmem:s29], [sflag:$0x3] =	stream.indirect_vreg.gather [hbm4b:s3+s2], $0x80, v3, vm0, $0xb8;
	[tilespmem:$0x19400] =	vst v63  }
0x116: {  	_ =	swait.ge [sflag:s13], $0x8000  }
0x117: {  	s18 =	rddreg [dreg:$0x2];
	[sflag:s13] =	ssyncset.done $0x0  }
0x118: {  	[sflag:s13] =	ssyncadd.s32 $0xFFFF8000;
	s18 =	sadd.s32 s17, s18  }
0x119: {  	[hbm4b:s18+s2] =	stream.linear.scatter [tilespmem:s31], [sflag:$0x4], $0x8000, $0x38;
	[tilespmem:$0x19400] =	vst v63  }
0x11a: {  	_ =	swait.ge [sflag:s6], $0x8000  }
0x11b: {  	[sflag:s6] =	ssyncset.done $0x0  }
0x11c: {  	[sflag:s6] =	ssyncadd.s32 $0xFFFF8000  }
0x11d: {  	v3 =	vld [tilespmem:s16+$0xFFFFFF80];
	_ =	sdelay $0x4  }
0x11e: {  	v24 =	vshll.u32 v3, $0x1  }
0x11f: {  	v3 =	vand.u32 $0x7, v3;
	v4 =	vand.u32 $0xFFFFFFF0, v24  }
0x120: {  	v3 =	vor.u32 v3, v4  }
0x121: {  	v4 =	vperm.xlane v3, v0;
	_ =	sdelay $0x1  }
0x122: {  	v3 =	vperm.xlane v3, v2;
	v4 =	vadd.s32 v1, v4;
	_ =	sdelay $0x1  }
0x123: {  	v3 =	vadd.s32 v1, v3;
	_ =	sdelay $0x2  }
0x124: {  	[tilespmem:s31], [sflag:$0x1] =	stream.indirect_vreg.gather [hbm4b:s3+s2], $0x80, v4, vm0, $0xb8;
	[tilespmem:$0x19400] =	vst v63  }
0x125: {  	s20 =	simm.s32 $0x1C00  }
0x126: {  	[tilespmem:s20], [sflag:$0x1] =	stream.indirect_vreg.gather [hbm4b:s3+s2], $0x80, v3, vm0, $0xb8;
	[tilespmem:$0x19400] =	vst v63  }
0x127: {  	v3 =	vld [tilespmem:s16+$0xFFFFFF90];
	_ =	sdelay $0x4  }
0x128: {  	v25 =	vshll.u32 v3, $0x1  }
0x129: {  	v3 =	vand.u32 $0x7, v3;
	v4 =	vand.u32 $0xFFFFFFF0, v25  }
0x12a: {  	v3 =	vor.u32 v3, v4  }
0x12b: {  	v4 =	vperm.xlane v3, v0;
	_ =	sdelay $0x1  }
0x12c: {  	v3 =	vperm.xlane v3, v2;
	v4 =	vadd.s32 v1, v4;
	_ =	sdelay $0x1  }
0x12d: {  	v3 =	vadd.s32 v1, v3;
	_ =	sdelay $0x1  }
0x12e: {  	s19 =	simm.s32 $0x2400  }
0x12f: {  	[tilespmem:s19], [sflag:$0x1] =	stream.indirect_vreg.gather [hbm4b:s3+s2], $0x80, v4, vm0, $0xb8;
	[tilespmem:$0x19400] =	vst v63  }
0x130: {  	s21 =	simm.s32 $0x2C00  }
0x131: {  	[tilespmem:s21], [sflag:$0x1] =	stream.indirect_vreg.gather [hbm4b:s3+s2], $0x80, v3, vm0, $0xb8;
	[tilespmem:$0x19400] =	vst v63  }
0x132: {  	v3 =	vld [tilespmem:s16+$0xFFFFFFA0];
	_ =	sdelay $0x4  }
0x133: {  	v26 =	vshll.u32 v3, $0x1  }
0x134: {  	v3 =	vand.u32 $0x7, v3;
	v4 =	vand.u32 $0xFFFFFFF0, v26  }
0x135: {  	v3 =	vor.u32 v3, v4  }
0x136: {  	v4 =	vperm.xlane v3, v0;
	_ =	sdelay $0x1  }
0x137: {  	v3 =	vperm.xlane v3, v2;
	v4 =	vadd.s32 v1, v4;
	_ =	sdelay $0x1  }
0x138: {  	v3 =	vadd.s32 v1, v3;
	_ =	sdelay $0x1  }
0x139: {  	s22 =	simm.s32 $0x3400  }
0x13a: {  	[tilespmem:s22], [sflag:$0x1] =	stream.indirect_vreg.gather [hbm4b:s3+s2], $0x80, v4, vm0, $0xb8;
	[tilespmem:$0x19400] =	vst v63  }
0x13b: {  	s22 =	simm.s32 $0x3C00  }
0x13c: {  	[tilespmem:s22], [sflag:$0x1] =	stream.indirect_vreg.gather [hbm4b:s3+s2], $0x80, v3, vm0, $0xb8;
	[tilespmem:$0x19400] =	vst v63  }
0x13d: {  	v3 =	vld [tilespmem:s16+$0xFFFFFFB0];
	_ =	sdelay $0x4  }
0x13e: {  	v27 =	vshll.u32 v3, $0x1  }
0x13f: {  	v3 =	vand.u32 $0x7, v3;
	v4 =	vand.u32 $0xFFFFFFF0, v27  }
0x140: {  	v3 =	vor.u32 v3, v4  }
0x141: {  	v4 =	vperm.xlane v3, v0;
	_ =	sdelay $0x1  }
0x142: {  	v3 =	vperm.xlane v3, v2;
	v4 =	vadd.s32 v1, v4;
	_ =	sdelay $0x1  }
0x143: {  	v3 =	vadd.s32 v1, v3;
	_ =	sdelay $0x1  }
0x144: {  	s19 =	simm.s32 $0x4400  }
0x145: {  	[tilespmem:s19], [sflag:$0x1] =	stream.indirect_vreg.gather [hbm4b:s3+s2], $0x80, v4, vm0, $0xb8;
	[tilespmem:$0x19400] =	vst v63  }
0x146: {  	s19 =	simm.s32 $0x4C00  }
0x147: {  	[tilespmem:s19], [sflag:$0x1] =	stream.indirect_vreg.gather [hbm4b:s3+s2], $0x80, v3, vm0, $0xb8;
	[tilespmem:$0x19400] =	vst v63  }
0x148: {  	v3 =	vld [tilespmem:s16+$0xFFFFFFC0];
	_ =	sdelay $0x4  }
0x149: {  	v28 =	vshll.u32 v3, $0x1  }
0x14a: {  	v3 =	vand.u32 $0x7, v3;
	v4 =	vand.u32 $0xFFFFFFF0, v28  }
0x14b: {  	v3 =	vor.u32 v3, v4  }
0x14c: {  	v4 =	vperm.xlane v3, v0;
	_ =	sdelay $0x1  }
0x14d: {  	v3 =	vperm.xlane v3, v2;
	v4 =	vadd.s32 v1, v4;
	_ =	sdelay $0x1  }
0x14e: {  	v3 =	vadd.s32 v1, v3;
	_ =	sdelay $0x1  }
0x14f: {  	s19 =	simm.s32 $0x5400  }
0x150: {  	[tilespmem:s19], [sflag:$0x1] =	stream.indirect_vreg.gather [hbm4b:s3+s2], $0x80, v4, vm0, $0xb8;
	[tilespmem:$0x19400] =	vst v63  }
0x151: {  	s19 =	simm.s32 $0x5C00  }
0x152: {  	[tilespmem:s19], [sflag:$0x1] =	stream.indirect_vreg.gather [hbm4b:s3+s2], $0x80, v3, vm0, $0xb8;
	[tilespmem:$0x19400] =	vst v63  }
0x153: {  	v3 =	vld [tilespmem:s16+$0xFFFFFFD0];
	_ =	sdelay $0x4  }
0x154: {  	v29 =	vshll.u32 v3, $0x1  }
0x155: {  	v3 =	vand.u32 $0x7, v3;
	v4 =	vand.u32 $0xFFFFFFF0, v29  }
0x156: {  	v3 =	vor.u32 v3, v4  }
0x157: {  	v4 =	vperm.xlane v3, v0;
	_ =	sdelay $0x1  }
0x158: {  	v3 =	vperm.xlane v3, v2;
	v4 =	vadd.s32 v1, v4;
	_ =	sdelay $0x1  }
0x159: {  	v3 =	vadd.s32 v1, v3;
	_ =	sdelay $0x1  }
0x15a: {  	s19 =	simm.s32 $0x6400  }
0x15b: {  	[tilespmem:s19], [sflag:$0x1] =	stream.indirect_vreg.gather [hbm4b:s3+s2], $0x80, v4, vm0, $0xb8;
	[tilespmem:$0x19400] =	vst v63  }
0x15c: {  	s19 =	simm.s32 $0x6C00  }
0x15d: {  	[tilespmem:s19], [sflag:$0x1] =	stream.indirect_vreg.gather [hbm4b:s3+s2], $0x80, v3, vm0, $0xb8;
	[tilespmem:$0x19400] =	vst v63  }
0x15e: {  	v3 =	vld [tilespmem:s16+$0xFFFFFFE0];
	_ =	sdelay $0x4  }
0x15f: {  	v30 =	vshll.u32 v3, $0x1  }
0x160: {  	v3 =	vand.u32 $0x7, v3;
	v4 =	vand.u32 $0xFFFFFFF0, v30  }
0x161: {  	v3 =	vor.u32 v3, v4  }
0x162: {  	v4 =	vperm.xlane v3, v0;
	_ =	sdelay $0x1  }
0x163: {  	v3 =	vperm.xlane v3, v2;
	v4 =	vadd.s32 v1, v4;
	_ =	sdelay $0x1  }
0x164: {  	v3 =	vadd.s32 v1, v3;
	_ =	sdelay $0x1  }
0x165: {  	s19 =	simm.s32 $0x7400  }
0x166: {  	[tilespmem:s19], [sflag:$0x1] =	stream.indirect_vreg.gather [hbm4b:s3+s2], $0x80, v4, vm0, $0xb8;
	[tilespmem:$0x19400] =	vst v63  }
0x167: {  	s19 =	simm.s32 $0x7C00  }
0x168: {  	[tilespmem:s19], [sflag:$0x1] =	stream.indirect_vreg.gather [hbm4b:s3+s2], $0x80, v3, vm0, $0xb8;
	[tilespmem:$0x19400] =	vst v63  }
0x169: {  	v3 =	vld [tilespmem:s16+$0xFFFFFFF0];
	_ =	sdelay $0x4  }
0x16a: {  	v31 =	vshll.u32 v3, $0x1  }
0x16b: {  	v3 =	vand.u32 $0x7, v3;
	v4 =	vand.u32 $0xFFFFFFF0, v31  }
0x16c: {  	v3 =	vor.u32 v3, v4  }
0x16d: {  	v4 =	vperm.xlane v3, v0;
	_ =	sdelay $0x1  }
0x16e: {  	v3 =	vperm.xlane v3, v2;
	v4 =	vadd.s32 v1, v4;
	_ =	sdelay $0x1  }
0x16f: {  	v3 =	vadd.s32 v1, v3;
	_ =	sdelay $0x1  }
0x170: {  	s19 =	simm.s32 $0x8400  }
0x171: {  	[tilespmem:s19], [sflag:$0x1] =	stream.indirect_vreg.gather [hbm4b:s3+s2], $0x80, v4, vm0, $0xb8;
	[tilespmem:$0x19400] =	vst v63  }
0x172: {  	s19 =	simm.s32 $0x8C00  }
0x173: {  	[tilespmem:s19], [sflag:$0x1] =	stream.indirect_vreg.gather [hbm4b:s3+s2], $0x80, v3, vm0, $0xb8;
	[tilespmem:$0x19400] =	vst v63  }
0x174: {  	_ =	swait.ge [sflag:s14], $0x8000  }
0x175: {  	[sflag:s14] =	ssyncset.done $0x0  }
0x176: {  	s19 =	sadd.s32 $0x1000, s18;
	[sflag:s14] =	ssyncadd.s32 $0xFFFF8000  }
0x177: {  	[hbm4b:s19+s2] =	stream.linear.scatter [tilespmem:s23], [sflag:$0x4], $0x8000, $0x38;
	[tilespmem:$0x19400] =	vst v63  }
0x178: {  	_ =	swait.ge [sflag:s6], $0x8000  }
0x179: {  	[sflag:s6] =	ssyncset.done $0x0  }
0x17a: {  	[sflag:s6] =	ssyncadd.s32 $0xFFFF8000  }
0x17b: {  	v3 =	vld [tilespmem:s16+$0x0];
	_ =	sdelay $0x4  }
0x17c: {  	v32 =	vshll.u32 v3, $0x1  }
0x17d: {  	v3 =	vand.u32 $0x7, v3;
	v4 =	vand.u32 $0xFFFFFFF0, v32  }
0x17e: {  	v3 =	vor.u32 v3, v4  }
0x17f: {  	v4 =	vperm.xlane v3, v0;
	_ =	sdelay $0x1  }
0x180: {  	v3 =	vperm.xlane v3, v2;
	v4 =	vadd.s32 v1, v4;
	_ =	sdelay $0x1  }
0x181: {  	v3 =	vadd.s32 v1, v3;
	_ =	sdelay $0x2  }
0x182: {  	[tilespmem:s23], [sflag:$0x2] =	stream.indirect_vreg.gather [hbm4b:s3+s2], $0x80, v4, vm0, $0xb8;
	[tilespmem:$0x19400] =	vst v63  }
0x183: {  	s19 =	simm.s32 $0x9C00  }
0x184: {  	[tilespmem:s19], [sflag:$0x2] =	stream.indirect_vreg.gather [hbm4b:s3+s2], $0x80, v3, vm0, $0xb8;
	[tilespmem:$0x19400] =	vst v63  }
0x185: {  	v3 =	vld [tilespmem:s16+$0x10];
	_ =	sdelay $0x4  }
0x186: {  	v33 =	vshll.u32 v3, $0x1  }
0x187: {  	v3 =	vand.u32 $0x7, v3;
	v4 =	vand.u32 $0xFFFFFFF0, v33  }
0x188: {  	v3 =	vor.u32 v3, v4  }
0x189: {  	v4 =	vperm.xlane v3, v0;
	_ =	sdelay $0x1  }
0x18a: {  	v3 =	vperm.xlane v3, v2;
	v4 =	vadd.s32 v1, v4;
	_ =	sdelay $0x1  }
0x18b: {  	v3 =	vadd.s32 v1, v3;
	_ =	sdelay $0x1  }
0x18c: {  	s19 =	simm.s32 $0xA400  }
0x18d: {  	[tilespmem:s19], [sflag:$0x2] =	stream.indirect_vreg.gather [hbm4b:s3+s2], $0x80, v4, vm0, $0xb8;
	[tilespmem:$0x19400] =	vst v63  }
0x18e: {  	s19 =	simm.s32 $0xAC00  }
0x18f: {  	[tilespmem:s19], [sflag:$0x2] =	stream.indirect_vreg.gather [hbm4b:s3+s2], $0x80, v3, vm0, $0xb8;
	[tilespmem:$0x19400] =	vst v63  }
0x190: {  	v3 =	vld [tilespmem:s16+$0x20];
	_ =	sdelay $0x4  }
0x191: {  	v34 =	vshll.u32 v3, $0x1  }
0x192: {  	v3 =	vand.u32 $0x7, v3;
	v4 =	vand.u32 $0xFFFFFFF0, v34  }
0x193: {  	v3 =	vor.u32 v3, v4  }
0x194: {  	v4 =	vperm.xlane v3, v0;
	_ =	sdelay $0x1  }
0x195: {  	v3 =	vperm.xlane v3, v2;
	v4 =	vadd.s32 v1, v4;
	_ =	sdelay $0x1  }
0x196: {  	v3 =	vadd.s32 v1, v3;
	_ =	sdelay $0x1  }
0x197: {  	s19 =	simm.s32 $0xB400  }
0x198: {  	[tilespmem:s19], [sflag:$0x2] =	stream.indirect_vreg.gather [hbm4b:s3+s2], $0x80, v4, vm0, $0xb8;
	[tilespmem:$0x19400] =	vst v63  }
0x199: {  	s19 =	simm.s32 $0xBC00  }
0x19a: {  	[tilespmem:s19], [sflag:$0x2] =	stream.indirect_vreg.gather [hbm4b:s3+s2], $0x80, v3, vm0, $0xb8;
	[tilespmem:$0x19400] =	vst v63  }
0x19b: {  	v3 =	vld [tilespmem:s16+$0x30];
	_ =	sdelay $0x4  }
0x19c: {  	v35 =	vshll.u32 v3, $0x1  }
0x19d: {  	v3 =	vand.u32 $0x7, v3;
	v4 =	vand.u32 $0xFFFFFFF0, v35  }
0x19e: {  	v3 =	vor.u32 v3, v4  }
0x19f: {  	v4 =	vperm.xlane v3, v0;
	_ =	sdelay $0x1  }
0x1a0: {  	v3 =	vperm.xlane v3, v2;
	v4 =	vadd.s32 v1, v4;
	_ =	sdelay $0x1  }
0x1a1: {  	v3 =	vadd.s32 v1, v3;
	_ =	sdelay $0x1  }
0x1a2: {  	s19 =	simm.s32 $0xC400  }
0x1a3: {  	[tilespmem:s19], [sflag:$0x2] =	stream.indirect_vreg.gather [hbm4b:s3+s2], $0x80, v4, vm0, $0xb8;
	[tilespmem:$0x19400] =	vst v63  }
0x1a4: {  	s19 =	simm.s32 $0xCC00  }
0x1a5: {  	[tilespmem:s19], [sflag:$0x2] =	stream.indirect_vreg.gather [hbm4b:s3+s2], $0x80, v3, vm0, $0xb8;
	[tilespmem:$0x19400] =	vst v63  }
0x1a6: {  	v3 =	vld [tilespmem:s16+$0x40];
	_ =	sdelay $0x4  }
0x1a7: {  	v36 =	vshll.u32 v3, $0x1  }
0x1a8: {  	v3 =	vand.u32 $0x7, v3;
	v4 =	vand.u32 $0xFFFFFFF0, v36  }
0x1a9: {  	v3 =	vor.u32 v3, v4  }
0x1aa: {  	v4 =	vperm.xlane v3, v0;
	_ =	sdelay $0x1  }
0x1ab: {  	v3 =	vperm.xlane v3, v2;
	v4 =	vadd.s32 v1, v4;
	_ =	sdelay $0x1  }
0x1ac: {  	v3 =	vadd.s32 v1, v3;
	_ =	sdelay $0x1  }
0x1ad: {  	s19 =	simm.s32 $0xD400  }
0x1ae: {  	[tilespmem:s19], [sflag:$0x2] =	stream.indirect_vreg.gather [hbm4b:s3+s2], $0x80, v4, vm0, $0xb8;
	[tilespmem:$0x19400] =	vst v63  }
0x1af: {  	s19 =	simm.s32 $0xDC00  }
0x1b0: {  	[tilespmem:s19], [sflag:$0x2] =	stream.indirect_vreg.gather [hbm4b:s3+s2], $0x80, v3, vm0, $0xb8;
	[tilespmem:$0x19400] =	vst v63  }
0x1b1: {  	v3 =	vld [tilespmem:s16+$0x50];
	_ =	sdelay $0x4  }
0x1b2: {  	v37 =	vshll.u32 v3, $0x1  }
0x1b3: {  	v3 =	vand.u32 $0x7, v3;
	v4 =	vand.u32 $0xFFFFFFF0, v37  }
0x1b4: {  	v3 =	vor.u32 v3, v4  }
0x1b5: {  	v4 =	vperm.xlane v3, v0;
	_ =	sdelay $0x1  }
0x1b6: {  	v3 =	vperm.xlane v3, v2;
	v4 =	vadd.s32 v1, v4;
	_ =	sdelay $0x1  }
0x1b7: {  	v3 =	vadd.s32 v1, v3;
	_ =	sdelay $0x1  }
0x1b8: {  	s19 =	simm.s32 $0xE400  }
0x1b9: {  	[tilespmem:s19], [sflag:$0x2] =	stream.indirect_vreg.gather [hbm4b:s3+s2], $0x80, v4, vm0, $0xb8;
	[tilespmem:$0x19400] =	vst v63  }
0x1ba: {  	s19 =	simm.s32 $0xEC00  }
0x1bb: {  	[tilespmem:s19], [sflag:$0x2] =	stream.indirect_vreg.gather [hbm4b:s3+s2], $0x80, v3, vm0, $0xb8;
	[tilespmem:$0x19400] =	vst v63  }
0x1bc: {  	v3 =	vld [tilespmem:s16+$0x60];
	_ =	sdelay $0x4  }
0x1bd: {  	v38 =	vshll.u32 v3, $0x1  }
0x1be: {  	v3 =	vand.u32 $0x7, v3;
	v4 =	vand.u32 $0xFFFFFFF0, v38  }
0x1bf: {  	v3 =	vor.u32 v3, v4  }
0x1c0: {  	v4 =	vperm.xlane v3, v0;
	_ =	sdelay $0x1  }
0x1c1: {  	v3 =	vperm.xlane v3, v2;
	v4 =	vadd.s32 v1, v4;
	_ =	sdelay $0x1  }
0x1c2: {  	v3 =	vadd.s32 v1, v3;
	_ =	sdelay $0x1  }
0x1c3: {  	s19 =	simm.s32 $0xF400  }
0x1c4: {  	[tilespmem:s19], [sflag:$0x2] =	stream.indirect_vreg.gather [hbm4b:s3+s2], $0x80, v4, vm0, $0xb8;
	[tilespmem:$0x19400] =	vst v63  }
0x1c5: {  	s19 =	simm.s32 $0xFC00  }
0x1c6: {  	[tilespmem:s19], [sflag:$0x2] =	stream.indirect_vreg.gather [hbm4b:s3+s2], $0x80, v3, vm0, $0xb8;
	[tilespmem:$0x19400] =	vst v63  }
0x1c7: {  	v3 =	vld [tilespmem:s16+$0x70];
	_ =	sdelay $0x4  }
0x1c8: {  	v39 =	vshll.u32 v3, $0x1  }
0x1c9: {  	v3 =	vand.u32 $0x7, v3;
	v4 =	vand.u32 $0xFFFFFFF0, v39  }
0x1ca: {  	v3 =	vor.u32 v3, v4  }
0x1cb: {  	v4 =	vperm.xlane v3, v0;
	_ =	sdelay $0x1  }
0x1cc: {  	v3 =	vperm.xlane v3, v2;
	v4 =	vadd.s32 v1, v4;
	_ =	sdelay $0x1  }
0x1cd: {  	v3 =	vadd.s32 v1, v3;
	_ =	sdelay $0x1  }
0x1ce: {  	s19 =	simm.s32 $0x10400  }
0x1cf: {  	[tilespmem:s19], [sflag:$0x2] =	stream.indirect_vreg.gather [hbm4b:s3+s2], $0x80, v4, vm0, $0xb8;
	[tilespmem:$0x19400] =	vst v63  }
0x1d0: {  	s19 =	simm.s32 $0x10C00  }
0x1d1: {  	[tilespmem:s19], [sflag:$0x2] =	stream.indirect_vreg.gather [hbm4b:s3+s2], $0x80, v3, vm0, $0xb8;
	[tilespmem:$0x19400] =	vst v63  }
0x1d2: {  	_ =	swait.ge [sflag:s15], $0x8000  }
0x1d3: {  	[sflag:s15] =	ssyncset.done $0x0  }
0x1d4: {  	s19 =	sadd.s32 $0x2000, s18;
	[sflag:s15] =	ssyncadd.s32 $0xFFFF8000  }
0x1d5: {  	[hbm4b:s19+s2] =	stream.linear.scatter [tilespmem:s0], [sflag:$0x4], $0x8000, $0x38;
	[tilespmem:$0x19400] =	vst v63  }
0x1d6: {  	_ =	swait.ge [sflag:s6], $0x8000  }
0x1d7: {  	[sflag:s6] =	ssyncset.done $0x0  }
0x1d8: {  	[sflag:s6] =	ssyncadd.s32 $0xFFFF8000  }
0x1d9: {  	v3 =	vld [tilespmem:s16+$0x80];
	_ =	sdelay $0x4  }
0x1da: {  	v40 =	vshll.u32 v3, $0x1  }
0x1db: {  	v3 =	vand.u32 $0x7, v3;
	v4 =	vand.u32 $0xFFFFFFF0, v40  }
0x1dc: {  	v3 =	vor.u32 v3, v4  }
0x1dd: {  	v4 =	vperm.xlane v3, v0;
	_ =	sdelay $0x1  }
0x1de: {  	v3 =	vperm.xlane v3, v2;
	v4 =	vadd.s32 v1, v4;
	_ =	sdelay $0x1  }
0x1df: {  	v3 =	vadd.s32 v1, v3;
	_ =	sdelay $0x2  }
0x1e0: {  	[tilespmem:s0], [sflag:$0x3] =	stream.indirect_vreg.gather [hbm4b:s3+s2], $0x80, v4, vm0, $0xb8;
	[tilespmem:$0x19400] =	vst v63  }
0x1e1: {  	_ = 	snop  }
0x1e2: {  	[tilespmem:s1], [sflag:$0x3] =	stream.indirect_vreg.gather [hbm4b:s3+s2], $0x80, v3, vm0, $0xb8;
	[tilespmem:$0x19400] =	vst v63  }
0x1e3: {  	v3 =	vld [tilespmem:s16+$0x90];
	_ =	sdelay $0x4  }
0x1e4: {  	v41 =	vshll.u32 v3, $0x1  }
0x1e5: {  	v3 =	vand.u32 $0x7, v3;
	v4 =	vand.u32 $0xFFFFFFF0, v41  }
0x1e6: {  	v3 =	vor.u32 v3, v4  }
0x1e7: {  	v4 =	vperm.xlane v3, v0;
	_ =	sdelay $0x1  }
0x1e8: {  	v3 =	vperm.xlane v3, v2;
	v4 =	vadd.s32 v1, v4;
	_ =	sdelay $0x1  }
0x1e9: {  	v3 =	vadd.s32 v1, v3;
	_ =	sdelay $0x2  }
0x1ea: {  	[tilespmem:s4], [sflag:$0x3] =	stream.indirect_vreg.gather [hbm4b:s3+s2], $0x80, v4, vm0, $0xb8;
	[tilespmem:$0x19400] =	vst v63  }
0x1eb: {  	_ = 	snop  }
0x1ec: {  	[tilespmem:s5], [sflag:$0x3] =	stream.indirect_vreg.gather [hbm4b:s3+s2], $0x80, v3, vm0, $0xb8;
	[tilespmem:$0x19400] =	vst v63  }
0x1ed: {  	v3 =	vld [tilespmem:s16+$0xA0];
	_ =	sdelay $0x4  }
0x1ee: {  	v42 =	vshll.u32 v3, $0x1  }
0x1ef: {  	v3 =	vand.u32 $0x7, v3;
	v4 =	vand.u32 $0xFFFFFFF0, v42  }
0x1f0: {  	v3 =	vor.u32 v3, v4  }
0x1f1: {  	v4 =	vperm.xlane v3, v0;
	_ =	sdelay $0x1  }
0x1f2: {  	v3 =	vperm.xlane v3, v2;
	v4 =	vadd.s32 v1, v4;
	_ =	sdelay $0x1  }
0x1f3: {  	v3 =	vadd.s32 v1, v3;
	_ =	sdelay $0x2  }
0x1f4: {  	[tilespmem:s7], [sflag:$0x3] =	stream.indirect_vreg.gather [hbm4b:s3+s2], $0x80, v4, vm0, $0xb8;
	[tilespmem:$0x19400] =	vst v63  }
0x1f5: {  	_ = 	snop  }
0x1f6: {  	[tilespmem:s8], [sflag:$0x3] =	stream.indirect_vreg.gather [hbm4b:s3+s2], $0x80, v3, vm0, $0xb8;
	[tilespmem:$0x19400] =	vst v63  }
0x1f7: {  	v3 =	vld [tilespmem:s16+$0xB0];
	_ =	sdelay $0x4  }
0x1f8: {  	v43 =	vshll.u32 v3, $0x1  }
0x1f9: {  	v3 =	vand.u32 $0x7, v3;
	v4 =	vand.u32 $0xFFFFFFF0, v43  }
0x1fa: {  	v3 =	vor.u32 v3, v4  }
0x1fb: {  	v4 =	vperm.xlane v3, v0;
	_ =	sdelay $0x1  }
0x1fc: {  	v3 =	vperm.xlane v3, v2;
	v4 =	vadd.s32 v1, v4;
	_ =	sdelay $0x1  }
0x1fd: {  	v3 =	vadd.s32 v1, v3;
	_ =	sdelay $0x2  }
0x1fe: {  	[tilespmem:s9], [sflag:$0x3] =	stream.indirect_vreg.gather [hbm4b:s3+s2], $0x80, v4, vm0, $0xb8;
	[tilespmem:$0x19400] =	vst v63  }
0x1ff: {  	_ = 	snop  }
0x200: {  	[tilespmem:s10], [sflag:$0x3] =	stream.indirect_vreg.gather [hbm4b:s3+s2], $0x80, v3, vm0, $0xb8;
	[tilespmem:$0x19400] =	vst v63  }
0x201: {  	v3 =	vld [tilespmem:s16+$0xC0];
	_ =	sdelay $0x4  }
0x202: {  	v44 =	vshll.u32 v3, $0x1  }
0x203: {  	v3 =	vand.u32 $0x7, v3;
	v4 =	vand.u32 $0xFFFFFFF0, v44  }
0x204: {  	v3 =	vor.u32 v3, v4  }
0x205: {  	v4 =	vperm.xlane v3, v0;
	_ =	sdelay $0x1  }
0x206: {  	v3 =	vperm.xlane v3, v2;
	v4 =	vadd.s32 v1, v4;
	_ =	sdelay $0x1  }
0x207: {  	v3 =	vadd.s32 v1, v3;
	_ =	sdelay $0x2  }
0x208: {  	[tilespmem:s11], [sflag:$0x3] =	stream.indirect_vreg.gather [hbm4b:s3+s2], $0x80, v4, vm0, $0xb8;
	[tilespmem:$0x19400] =	vst v63  }
0x209: {  	_ = 	snop  }
0x20a: {  	[tilespmem:s12], [sflag:$0x3] =	stream.indirect_vreg.gather [hbm4b:s3+s2], $0x80, v3, vm0, $0xb8;
	[tilespmem:$0x19400] =	vst v63  }
0x20b: {  	v3 =	vld [tilespmem:s16+$0xD0];
	_ =	sdelay $0x4  }
0x20c: {  	v45 =	vshll.u32 v3, $0x1  }
0x20d: {  	v3 =	vand.u32 $0x7, v3;
	v4 =	vand.u32 $0xFFFFFFF0, v45  }
0x20e: {  	v3 =	vor.u32 v3, v4  }
0x20f: {  	v4 =	vperm.xlane v3, v0;
	_ =	sdelay $0x1  }
0x210: {  	v3 =	vperm.xlane v3, v2;
	v4 =	vadd.s32 v1, v4;
	_ =	sdelay $0x1  }
0x211: {  	v3 =	vadd.s32 v1, v3;
	_ =	sdelay $0x2  }
0x212: {  	[tilespmem:s30], [sflag:$0x3] =	stream.indirect_vreg.gather [hbm4b:s3+s2], $0x80, v4, vm0, $0xb8;
	[tilespmem:$0x19400] =	vst v63  }
0x213: {  	_ = 	snop  }
0x214: {  	[tilespmem:s24], [sflag:$0x3] =	stream.indirect_vreg.gather [hbm4b:s3+s2], $0x80, v3, vm0, $0xb8;
	[tilespmem:$0x19400] =	vst v63  }
0x215: {  	v3 =	vld [tilespmem:s16+$0xE0];
	_ =	sdelay $0x4  }
0x216: {  	v46 =	vshll.u32 v3, $0x1  }
0x217: {  	v3 =	vand.u32 $0x7, v3;
	v4 =	vand.u32 $0xFFFFFFF0, v46  }
0x218: {  	v3 =	vor.u32 v3, v4  }
0x219: {  	v4 =	vperm.xlane v3, v0;
	_ =	sdelay $0x1  }
0x21a: {  	v3 =	vperm.xlane v3, v2;
	v4 =	vadd.s32 v1, v4;
	_ =	sdelay $0x1  }
0x21b: {  	v3 =	vadd.s32 v1, v3;
	_ =	sdelay $0x2  }
0x21c: {  	[tilespmem:s25], [sflag:$0x3] =	stream.indirect_vreg.gather [hbm4b:s3+s2], $0x80, v4, vm0, $0xb8;
	[tilespmem:$0x19400] =	vst v63  }
0x21d: {  	_ = 	snop  }
0x21e: {  	[tilespmem:s26], [sflag:$0x3] =	stream.indirect_vreg.gather [hbm4b:s3+s2], $0x80, v3, vm0, $0xb8;
	[tilespmem:$0x19400] =	vst v63  }
0x21f: {  	v3 =	vld [tilespmem:s16+$0xF0];
	_ =	sdelay $0x4  }
0x220: {  	v47 =	vshll.u32 v3, $0x1  }
0x221: {  	v3 =	vand.u32 $0x7, v3;
	v4 =	vand.u32 $0xFFFFFFF0, v47  }
0x222: {  	v3 =	vor.u32 v3, v4  }
0x223: {  	v4 =	vperm.xlane v3, v0;
	_ =	sdelay $0x1  }
0x224: {  	v3 =	vperm.xlane v3, v2;
	v4 =	vadd.s32 v1, v4;
	_ =	sdelay $0x1  }
0x225: {  	v3 =	vadd.s32 v1, v3;
	_ =	sdelay $0x2  }
0x226: {  	[tilespmem:s28], [sflag:$0x3] =	stream.indirect_vreg.gather [hbm4b:s3+s2], $0x80, v4, vm0, $0xb8;
	[tilespmem:$0x19400] =	vst v63  }
0x227: {  	_ = 	snop  }
0x228: {  	[tilespmem:s29], [sflag:$0x3] =	stream.indirect_vreg.gather [hbm4b:s3+s2], $0x80, v3, vm0, $0xb8;
	[tilespmem:$0x19400] =	vst v63  }
0x229: {  	_ =	swait.ge [sflag:s13], $0x8000  }
0x22a: {  	[sflag:s13] =	ssyncset.done $0x0  }
0x22b: {  	s0 =	sadd.s32 $0x3000, s18;
	[sflag:s13] =	ssyncadd.s32 $0xFFFF8000  }
0x22c: {  	[hbm4b:s0+s2] =	stream.linear.scatter [tilespmem:s31], [sflag:$0x4], $0x8000, $0x38;
	[tilespmem:$0x19400] =	vst v63  }
0x22d: {  	_ =	swait.ge [sflag:s6], $0x8000  }
0x22e: {  	[sflag:s6] =	ssyncset.done $0x0  }
0x22f: {  	[sflag:s6] =	ssyncadd.s32 $0xFFFF8000  }
0x230: {  	v3 =	vld [tilespmem:s16+$0x100];
	_ =	sdelay $0x4  }
0x231: {  	v48 =	vshll.u32 v3, $0x1  }
0x232: {  	v3 =	vand.u32 $0x7, v3;
	v4 =	vand.u32 $0xFFFFFFF0, v48  }
0x233: {  	v3 =	vor.u32 v3, v4  }
0x234: {  	v4 =	vperm.xlane v3, v0;
	_ =	sdelay $0x1  }
0x235: {  	v3 =	vperm.xlane v3, v2;
	v4 =	vadd.s32 v1, v4;
	_ =	sdelay $0x1  }
0x236: {  	v3 =	vadd.s32 v1, v3;
	_ =	sdelay $0x2  }
0x237: {  	[tilespmem:s31], [sflag:$0x1] =	stream.indirect_vreg.gather [hbm4b:s3+s2], $0x80, v4, vm0, $0xb8;
	[tilespmem:$0x19400] =	vst v63  }
0x238: {  	_ = 	snop  }
0x239: {  	[tilespmem:s20], [sflag:$0x1] =	stream.indirect_vreg.gather [hbm4b:s3+s2], $0x80, v3, vm0, $0xb8;
	[tilespmem:$0x19400] =	vst v63  }
0x23a: {  	v3 =	vld [tilespmem:s16+$0x110];
	_ =	sdelay $0x4  }
0x23b: {  	v49 =	vshll.u32 v3, $0x1  }
0x23c: {  	v3 =	vand.u32 $0x7, v3;
	v4 =	vand.u32 $0xFFFFFFF0, v49  }
0x23d: {  	v3 =	vor.u32 v3, v4  }
0x23e: {  	v4 =	vperm.xlane v3, v0;
	_ =	sdelay $0x1  }
0x23f: {  	v3 =	vperm.xlane v3, v2;
	v4 =	vadd.s32 v1, v4;
	_ =	sdelay $0x1  }
0x240: {  	v3 =	vadd.s32 v1, v3;
	_ =	sdelay $0x1  }
0x241: {  	s20 =	simm.s32 $0x2400  }
0x242: {  	[tilespmem:s20], [sflag:$0x1] =	stream.indirect_vreg.gather [hbm4b:s3+s2], $0x80, v4, vm0, $0xb8;
	[tilespmem:$0x19400] =	vst v63  }
0x243: {  	_ = 	snop  }
0x244: {  	[tilespmem:s21], [sflag:$0x1] =	stream.indirect_vreg.gather [hbm4b:s3+s2], $0x80, v3, vm0, $0xb8;
	[tilespmem:$0x19400] =	vst v63  }
0x245: {  	v3 =	vld [tilespmem:s16+$0x120];
	_ =	sdelay $0x4  }
0x246: {  	v50 =	vshll.u32 v3, $0x1  }
0x247: {  	v3 =	vand.u32 $0x7, v3;
	v4 =	vand.u32 $0xFFFFFFF0, v50  }
0x248: {  	v3 =	vor.u32 v3, v4  }
0x249: {  	v4 =	vperm.xlane v3, v0;
	_ =	sdelay $0x1  }
0x24a: {  	v3 =	vperm.xlane v3, v2;
	v4 =	vadd.s32 v1, v4;
	_ =	sdelay $0x1  }
0x24b: {  	v3 =	vadd.s32 v1, v3;
	_ =	sdelay $0x1  }
0x24c: {  	s21 =	simm.s32 $0x3400  }
0x24d: {  	[tilespmem:s21], [sflag:$0x1] =	stream.indirect_vreg.gather [hbm4b:s3+s2], $0x80, v4, vm0, $0xb8;
	[tilespmem:$0x19400] =	vst v63  }
0x24e: {  	_ = 	snop  }
0x24f: {  	[tilespmem:s22], [sflag:$0x1] =	stream.indirect_vreg.gather [hbm4b:s3+s2], $0x80, v3, vm0, $0xb8;
	[tilespmem:$0x19400] =	vst v63  }
0x250: {  	v3 =	vld [tilespmem:s16+$0x130];
	_ =	sdelay $0x4  }
0x251: {  	v51 =	vshll.u32 v3, $0x1  }
0x252: {  	v3 =	vand.u32 $0x7, v3;
	v4 =	vand.u32 $0xFFFFFFF0, v51  }
0x253: {  	v3 =	vor.u32 v3, v4  }
0x254: {  	v4 =	vperm.xlane v3, v0;
	_ =	sdelay $0x1  }
0x255: {  	v3 =	vperm.xlane v3, v2;
	v4 =	vadd.s32 v1, v4;
	_ =	sdelay $0x1  }
0x256: {  	v3 =	vadd.s32 v1, v3;
	_ =	sdelay $0x1  }
0x257: {  	s1 =	simm.s32 $0x4400  }
0x258: {  	[tilespmem:s1], [sflag:$0x1] =	stream.indirect_vreg.gather [hbm4b:s3+s2], $0x80, v4, vm0, $0xb8;
	[tilespmem:$0x19400] =	vst v63  }
0x259: {  	s19 =	simm.s32 $0x4C00  }
0x25a: {  	[tilespmem:s19], [sflag:$0x1] =	stream.indirect_vreg.gather [hbm4b:s3+s2], $0x80, v3, vm0, $0xb8;
	[tilespmem:$0x19400] =	vst v63  }
0x25b: {  	v3 =	vld [tilespmem:s16+$0x140];
	_ =	sdelay $0x4  }
0x25c: {  	v52 =	vshll.u32 v3, $0x1  }
0x25d: {  	v3 =	vand.u32 $0x7, v3;
	v4 =	vand.u32 $0xFFFFFFF0, v52  }
0x25e: {  	v3 =	vor.u32 v3, v4  }
0x25f: {  	v4 =	vperm.xlane v3, v0;
	_ =	sdelay $0x1  }
0x260: {  	v3 =	vperm.xlane v3, v2;
	v4 =	vadd.s32 v1, v4;
	_ =	sdelay $0x1  }
0x261: {  	v3 =	vadd.s32 v1, v3;
	_ =	sdelay $0x1  }
0x262: {  	s1 =	simm.s32 $0x5400  }
0x263: {  	[tilespmem:s1], [sflag:$0x1] =	stream.indirect_vreg.gather [hbm4b:s3+s2], $0x80, v4, vm0, $0xb8;
	[tilespmem:$0x19400] =	vst v63  }
0x264: {  	s19 =	simm.s32 $0x5C00  }
0x265: {  	[tilespmem:s19], [sflag:$0x1] =	stream.indirect_vreg.gather [hbm4b:s3+s2], $0x80, v3, vm0, $0xb8;
	[tilespmem:$0x19400] =	vst v63  }
0x266: {  	v3 =	vld [tilespmem:s16+$0x150];
	_ =	sdelay $0x4  }
0x267: {  	v53 =	vshll.u32 v3, $0x1  }
0x268: {  	v3 =	vand.u32 $0x7, v3;
	v4 =	vand.u32 $0xFFFFFFF0, v53  }
0x269: {  	v3 =	vor.u32 v3, v4  }
0x26a: {  	v4 =	vperm.xlane v3, v0;
	_ =	sdelay $0x1  }
0x26b: {  	v3 =	vperm.xlane v3, v2;
	v4 =	vadd.s32 v1, v4;
	_ =	sdelay $0x1  }
0x26c: {  	v3 =	vadd.s32 v1, v3;
	_ =	sdelay $0x1  }
0x26d: {  	s1 =	simm.s32 $0x6400  }
0x26e: {  	[tilespmem:s1], [sflag:$0x1] =	stream.indirect_vreg.gather [hbm4b:s3+s2], $0x80, v4, vm0, $0xb8;
	[tilespmem:$0x19400] =	vst v63  }
0x26f: {  	s19 =	simm.s32 $0x6C00  }
0x270: {  	[tilespmem:s19], [sflag:$0x1] =	stream.indirect_vreg.gather [hbm4b:s3+s2], $0x80, v3, vm0, $0xb8;
	[tilespmem:$0x19400] =	vst v63  }
0x271: {  	v3 =	vld [tilespmem:s16+$0x160];
	_ =	sdelay $0x4  }
0x272: {  	v54 =	vshll.u32 v3, $0x1  }
0x273: {  	v3 =	vand.u32 $0x7, v3;
	v4 =	vand.u32 $0xFFFFFFF0, v54  }
0x274: {  	v3 =	vor.u32 v3, v4  }
0x275: {  	v4 =	vperm.xlane v3, v0;
	_ =	sdelay $0x1  }
0x276: {  	v3 =	vperm.xlane v3, v2;
	v4 =	vadd.s32 v1, v4;
	_ =	sdelay $0x1  }
0x277: {  	v3 =	vadd.s32 v1, v3;
	_ =	sdelay $0x1  }
0x278: {  	s1 =	simm.s32 $0x7400  }
0x279: {  	[tilespmem:s1], [sflag:$0x1] =	stream.indirect_vreg.gather [hbm4b:s3+s2], $0x80, v4, vm0, $0xb8;
	[tilespmem:$0x19400] =	vst v63  }
0x27a: {  	s19 =	simm.s32 $0x7C00  }
0x27b: {  	[tilespmem:s19], [sflag:$0x1] =	stream.indirect_vreg.gather [hbm4b:s3+s2], $0x80, v3, vm0, $0xb8;
	[tilespmem:$0x19400] =	vst v63  }
0x27c: {  	v3 =	vld [tilespmem:s16+$0x170];
	_ =	sdelay $0x4  }
0x27d: {  	v55 =	vshll.u32 v3, $0x1  }
0x27e: {  	v3 =	vand.u32 $0x7, v3;
	v4 =	vand.u32 $0xFFFFFFF0, v55  }
0x27f: {  	v3 =	vor.u32 v3, v4  }
0x280: {  	v4 =	vperm.xlane v3, v0;
	_ =	sdelay $0x1  }
0x281: {  	v3 =	vperm.xlane v3, v2;
	v4 =	vadd.s32 v1, v4;
	_ =	sdelay $0x1  }
0x282: {  	v3 =	vadd.s32 v1, v3;
	_ =	sdelay $0x1  }
0x283: {  	s1 =	simm.s32 $0x8400  }
0x284: {  	[tilespmem:s1], [sflag:$0x1] =	stream.indirect_vreg.gather [hbm4b:s3+s2], $0x80, v4, vm0, $0xb8;
	[tilespmem:$0x19400] =	vst v63  }
0x285: {  	s19 =	simm.s32 $0x8C00  }
0x286: {  	[tilespmem:s19], [sflag:$0x1] =	stream.indirect_vreg.gather [hbm4b:s3+s2], $0x80, v3, vm0, $0xb8;
	[tilespmem:$0x19400] =	vst v63  }
0x287: {  	_ =	swait.ge [sflag:s14], $0x8000  }
0x288: {  	[sflag:s14] =	ssyncset.done $0x0  }
0x289: {  	s0 =	sadd.s32 $0x4000, s18;
	[sflag:s14] =	ssyncadd.s32 $0xFFFF8000  }
0x28a: {  	[hbm4b:s0+s2] =	stream.linear.scatter [tilespmem:s23], [sflag:$0x4], $0x8000, $0x38;
	[tilespmem:$0x19400] =	vst v63  }
0x28b: {  	_ =	swait.ge [sflag:s6], $0x8000  }
0x28c: {  	[sflag:s6] =	ssyncset.done $0x0  }
0x28d: {  	[sflag:s6] =	ssyncadd.s32 $0xFFFF8000  }
0x28e: {  	v3 =	vld [tilespmem:s16+$0x180];
	_ =	sdelay $0x4  }
0x28f: {  	v56 =	vshll.u32 v3, $0x1  }
0x290: {  	v3 =	vand.u32 $0x7, v3;
	v4 =	vand.u32 $0xFFFFFFF0, v56  }
0x291: {  	v3 =	vor.u32 v3, v4  }
0x292: {  	v4 =	vperm.xlane v3, v0;
	_ =	sdelay $0x1  }
0x293: {  	v3 =	vperm.xlane v3, v2;
	v4 =	vadd.s32 v1, v4;
	_ =	sdelay $0x1  }
0x294: {  	v3 =	vadd.s32 v1, v3;
	_ =	sdelay $0x2  }
0x295: {  	[tilespmem:s23], [sflag:$0x2] =	stream.indirect_vreg.gather [hbm4b:s3+s2], $0x80, v4, vm0, $0xb8;
	[tilespmem:$0x19400] =	vst v63  }
0x296: {  	s1 =	simm.s32 $0x9C00  }
0x297: {  	[tilespmem:s1], [sflag:$0x2] =	stream.indirect_vreg.gather [hbm4b:s3+s2], $0x80, v3, vm0, $0xb8;
	[tilespmem:$0x19400] =	vst v63  }
0x298: {  	v3 =	vld [tilespmem:s16+$0x190];
	_ =	sdelay $0x4  }
0x299: {  	v57 =	vshll.u32 v3, $0x1  }
0x29a: {  	v3 =	vand.u32 $0x7, v3;
	v4 =	vand.u32 $0xFFFFFFF0, v57  }
0x29b: {  	v3 =	vor.u32 v3, v4  }
0x29c: {  	v4 =	vperm.xlane v3, v0;
	_ =	sdelay $0x1  }
0x29d: {  	v3 =	vperm.xlane v3, v2;
	v4 =	vadd.s32 v1, v4;
	_ =	sdelay $0x1  }
0x29e: {  	v3 =	vadd.s32 v1, v3;
	_ =	sdelay $0x1  }
0x29f: {  	s19 =	simm.s32 $0xA400  }
0x2a0: {  	[tilespmem:s19], [sflag:$0x2] =	stream.indirect_vreg.gather [hbm4b:s3+s2], $0x80, v4, vm0, $0xb8;
	[tilespmem:$0x19400] =	vst v63  }
0x2a1: {  	s1 =	simm.s32 $0xAC00  }
0x2a2: {  	[tilespmem:s1], [sflag:$0x2] =	stream.indirect_vreg.gather [hbm4b:s3+s2], $0x80, v3, vm0, $0xb8;
	[tilespmem:$0x19400] =	vst v63  }
0x2a3: {  	v3 =	vld [tilespmem:s16+$0x1A0];
	_ =	sdelay $0x4  }
0x2a4: {  	v58 =	vshll.u32 v3, $0x1  }
0x2a5: {  	v3 =	vand.u32 $0x7, v3;
	v4 =	vand.u32 $0xFFFFFFF0, v58  }
0x2a6: {  	v3 =	vor.u32 v3, v4  }
0x2a7: {  	v4 =	vperm.xlane v3, v0;
	_ =	sdelay $0x1  }
0x2a8: {  	v3 =	vperm.xlane v3, v2;
	v4 =	vadd.s32 v1, v4;
	_ =	sdelay $0x1  }
0x2a9: {  	v3 =	vadd.s32 v1, v3;
	_ =	sdelay $0x1  }
0x2aa: {  	s19 =	simm.s32 $0xB400  }
0x2ab: {  	[tilespmem:s19], [sflag:$0x2] =	stream.indirect_vreg.gather [hbm4b:s3+s2], $0x80, v4, vm0, $0xb8;
	[tilespmem:$0x19400] =	vst v63  }
0x2ac: {  	s19 =	simm.s32 $0xBC00  }
0x2ad: {  	[tilespmem:s19], [sflag:$0x2] =	stream.indirect_vreg.gather [hbm4b:s3+s2], $0x80, v3, vm0, $0xb8;
	[tilespmem:$0x19400] =	vst v63  }
0x2ae: {  	v3 =	vld [tilespmem:s16+$0x1B0];
	_ =	sdelay $0x4  }
0x2af: {  	v59 =	vshll.u32 v3, $0x1  }
0x2b0: {  	v3 =	vand.u32 $0x7, v3;
	v4 =	vand.u32 $0xFFFFFFF0, v59  }
0x2b1: {  	v3 =	vor.u32 v3, v4  }
0x2b2: {  	v4 =	vperm.xlane v3, v0;
	_ =	sdelay $0x1  }
0x2b3: {  	v3 =	vperm.xlane v3, v2;
	v4 =	vadd.s32 v1, v4;
	_ =	sdelay $0x1  }
0x2b4: {  	v3 =	vadd.s32 v1, v3;
	_ =	sdelay $0x1  }
0x2b5: {  	s19 =	simm.s32 $0xC400  }
0x2b6: {  	[tilespmem:s19], [sflag:$0x2] =	stream.indirect_vreg.gather [hbm4b:s3+s2], $0x80, v4, vm0, $0xb8;
	[tilespmem:$0x19400] =	vst v63  }
0x2b7: {  	s19 =	simm.s32 $0xCC00  }
0x2b8: {  	[tilespmem:s19], [sflag:$0x2] =	stream.indirect_vreg.gather [hbm4b:s3+s2], $0x80, v3, vm0, $0xb8;
	[tilespmem:$0x19400] =	vst v63  }
0x2b9: {  	v3 =	vld [tilespmem:s16+$0x1C0];
	_ =	sdelay $0x4  }
0x2ba: {  	v60 =	vshll.u32 v3, $0x1  }
0x2bb: {  	v3 =	vand.u32 $0x7, v3;
	v4 =	vand.u32 $0xFFFFFFF0, v60  }
0x2bc: {  	v3 =	vor.u32 v3, v4  }
0x2bd: {  	v4 =	vperm.xlane v3, v0;
	_ =	sdelay $0x1  }
0x2be: {  	v3 =	vperm.xlane v3, v2;
	v4 =	vadd.s32 v1, v4;
	_ =	sdelay $0x1  }
0x2bf: {  	v3 =	vadd.s32 v1, v3;
	_ =	sdelay $0x1  }
0x2c0: {  	s19 =	simm.s32 $0xD400  }
0x2c1: {  	[tilespmem:s19], [sflag:$0x2] =	stream.indirect_vreg.gather [hbm4b:s3+s2], $0x80, v4, vm0, $0xb8;
	[tilespmem:$0x19400] =	vst v63  }
0x2c2: {  	s19 =	simm.s32 $0xDC00  }
0x2c3: {  	[tilespmem:s19], [sflag:$0x2] =	stream.indirect_vreg.gather [hbm4b:s3+s2], $0x80, v3, vm0, $0xb8;
	[tilespmem:$0x19400] =	vst v63  }
0x2c4: {  	v3 =	vld [tilespmem:s16+$0x1D0];
	_ =	sdelay $0x4  }
0x2c5: {  	v61 =	vshll.u32 v3, $0x1  }
0x2c6: {  	v3 =	vand.u32 $0x7, v3;
	v4 =	vand.u32 $0xFFFFFFF0, v61  }
0x2c7: {  	v3 =	vor.u32 v3, v4  }
0x2c8: {  	v4 =	vperm.xlane v3, v0;
	_ =	sdelay $0x1  }
0x2c9: {  	v3 =	vperm.xlane v3, v2;
	v4 =	vadd.s32 v1, v4;
	_ =	sdelay $0x1  }
0x2ca: {  	v3 =	vadd.s32 v1, v3;
	_ =	sdelay $0x1  }
0x2cb: {  	s19 =	simm.s32 $0xE400  }
0x2cc: {  	[tilespmem:s19], [sflag:$0x2] =	stream.indirect_vreg.gather [hbm4b:s3+s2], $0x80, v4, vm0, $0xb8;
	[tilespmem:$0x19400] =	vst v63  }
0x2cd: {  	s19 =	simm.s32 $0xEC00  }
0x2ce: {  	[tilespmem:s19], [sflag:$0x2] =	stream.indirect_vreg.gather [hbm4b:s3+s2], $0x80, v3, vm0, $0xb8;
	[tilespmem:$0x19400] =	vst v63  }
0x2cf: {  	v3 =	vld [tilespmem:s16+$0x1E0];
	_ =	sdelay $0x4  }
0x2d0: {  	v62 =	vshll.u32 v3, $0x1  }
0x2d1: {  	v3 =	vand.u32 $0x7, v3;
	v4 =	vand.u32 $0xFFFFFFF0, v62  }
0x2d2: {  	v3 =	vor.u32 v3, v4  }
0x2d3: {  	v4 =	vperm.xlane v3, v0;
	_ =	sdelay $0x1  }
0x2d4: {  	v3 =	vperm.xlane v3, v2;
	v4 =	vadd.s32 v1, v4;
	_ =	sdelay $0x1  }
0x2d5: {  	v3 =	vadd.s32 v1, v3;
	_ =	sdelay $0x1  }
0x2d6: {  	s19 =	simm.s32 $0xF400  }
0x2d7: {  	[tilespmem:s19], [sflag:$0x2] =	stream.indirect_vreg.gather [hbm4b:s3+s2], $0x80, v4, vm0, $0xb8;
	[tilespmem:$0x19400] =	vst v63  }
0x2d8: {  	s19 =	simm.s32 $0xFC00  }
0x2d9: {  	[tilespmem:s19], [sflag:$0x2] =	stream.indirect_vreg.gather [hbm4b:s3+s2], $0x80, v3, vm0, $0xb8;
	[tilespmem:$0x19400] =	vst v63  }
0x2da: {  	v3 =	vld [tilespmem:s16+$0x1F0];
	_ =	sdelay $0x4  }
0x2db: {  	v63 =	vshll.u32 v3, $0x1  }
0x2dc: {  	v3 =	vand.u32 $0x7, v3;
	v4 =	vand.u32 $0xFFFFFFF0, v63  }
0x2dd: {  	v3 =	vor.u32 v3, v4  }
0x2de: {  	v4 =	vperm.xlane v3, v0;
	_ =	sdelay $0x1  }
0x2df: {  	v3 =	vperm.xlane v3, v2;
	v4 =	vadd.s32 v1, v4;
	_ =	sdelay $0x1  }
0x2e0: {  	v3 =	vadd.s32 v1, v3;
	_ =	sdelay $0x1  }
0x2e1: {  	s19 =	simm.s32 $0x10400  }
0x2e2: {  	[tilespmem:s19], [sflag:$0x2] =	stream.indirect_vreg.gather [hbm4b:s3+s2], $0x80, v4, vm0, $0xb8;
	[tilespmem:$0x19400] =	vst v63  }
0x2e3: {  	s19 =	simm.s32 $0x10C00  }
0x2e4: {  	[tilespmem:s19], [sflag:$0x2] =	stream.indirect_vreg.gather [hbm4b:s3+s2], $0x80, v3, vm0, $0xb8;
	[tilespmem:$0x19400] =	vst v63  }
0x2e5: {  	_ =	swait.ge [sflag:s15], $0x8000  }
0x2e6: {  	[sflag:s15] =	ssyncset.done $0x0  }
0x2e7: {  	s0 =	simm.s32 $0x11400;
	s1 =	sadd.s32 $0x5000, s18;
	[sflag:s15] =	ssyncadd.s32 $0xFFFF8000  }
0x2e8: {  	[hbm4b:s1+s2] =	stream.linear.scatter [tilespmem:s0], [sflag:$0x4], $0x8000, $0x38;
	[tilespmem:$0x19400] =	vst v63  }
0x2e9: {  	_ =	swait.ge [sflag:s6], $0x8000  }
0x2ea: {  	[sflag:s6] =	ssyncset.done $0x0  }
0x2eb: {  	[sflag:s6] =	ssyncadd.s32 $0xFFFF8000  }
0x2ec: {  	_ =	swait.ge [sflag:s13], $0x8000  }
0x2ed: {  	[sflag:s13] =	ssyncset.done $0x0  }
0x2ee: {  	s1 =	sadd.s32 $0x6000, s18;
	[sflag:s13] =	ssyncadd.s32 $0xFFFF8000  }
0x2ef: {  	[hbm4b:s1+s2] =	stream.linear.scatter [tilespmem:s31], [sflag:$0x4], $0x8000, $0x38;
	[tilespmem:$0x19400] =	vst v63  }
0x2f0: {  	_ =	swait.ge [sflag:s6], $0x8000  }
0x2f1: {  	[sflag:s6] =	ssyncset.done $0x0  }
0x2f2: {  	[sflag:s6] =	ssyncadd.s32 $0xFFFF8000  }
0x2f3: {  	_ =	swait.ge [sflag:s14], $0x8000  }
0x2f4: {  	p0 =	sne.s32 s17, $0x20000;
	[sflag:s14] =	ssyncset.done $0x0  }
.Ltmp0:
0x2f5: {  	s18 =	sadd.s32 $0x7000, s18;
	[sflag:s14] =	ssyncadd.s32 $0xFFFF8000;
	(pc) =	sbr.rel @p0 .LBB2_2-.Ltmp0, $4  }
0x2f6: {  	[hbm4b:s18+s2] =	stream.linear.scatter [tilespmem:s23], [sflag:$0x4], $0x8000, $0x38;
	[tilespmem:$0x19400] =	vst v63  }
0x2f7: {  	_ =	swait.ge [sflag:s6], $0x8000  }
0x2f8: {  	s17 =	sadd.s32 $0x8000, s17;
	s16 =	sadd.s32 $0x400, s16;
	[sflag:s6] =	ssyncset.done $0x0  }
0x2f9: {  	s19 =	simm.s32 $0x2C00;
	s18 =	simm.s32 $0x1C00;
	[sflag:s6] =	ssyncadd.s32 $0xFFFF8000  }
0x2fa: {  	s0 =	rddreg [dreg:$0x5]  }
0x2fb: {  	s16 =	rddreg [dreg:$0x4];
	s0 =	sadd.s32 $0x1, s0  }
0x2fc: {  	p0 =	sne.s32 s0, s16  }
.Ltmp1:
0x2fd: {  	_ = 	snop;
	(pc) =	sbr.rel @p0 .LBB2_1-.Ltmp1, $1  }
0x2fe: {  	_ =	sdelay $0x3  }
0x2ff: {  	_ =	sfence.sel $0x180000  }
0x300: {  	[bflag:$0x0] =	sbarrier.arrive $0xFFFF  }
0x301: {  	_ =	strace $0x90000047  }
0x302: {  	s0 =	stileid.u32;
	[bflag:$0x2] =	sbarrier.arrive $0xFFFF  }
0x303: {  	p0 =	sne.s32 s0, $0x0;
	s0 =	rddreg [dreg:$0x1]  }
0x304: {  	s0 =	sadd.s32 @!p0 $0x100000, s0  }
0x305: {  	[sflag:s0] =	ssyncadd.tile.s32 @!p0 $0x1;
	_ =	shalt  }
.Lfunc_end2:
_tile_overlayer_lowered:
.L_overlay_start_2:
0x306: {  	(tag) =	ssettag $0x2  }
0x307: {  	s0 =	rddreg [dreg:$0x0];
	s2 =	stileid.u32  }
0x308: {  	s1 =	rddreg [dreg:$0x1];
	p0 =	sne.s32 s2, $0x0  }
0x309: {  	s3 =	rddreg [dreg:$0x2];
	[bflag:$0x3] =	sbarrier.arrive $0xFFFF;
	s2 =	simm.s32 @!p0 $0x1C04  }
0x30a: {  	[timem:s3], [sflag:s2] =	dma.local @!p0 [hbm:s0], s1  }
0x30b: {  	s0 =	simm.s32 @!p0 $0x4  }
0x30c: {  	_ =	swait.ge @!p0 [sflag:s0], s1  }
0x30d: {  	s1 =	ssub.s32 @!p0 $0x0, s1;
	[sflag:s0] =	ssyncset.done @!p0 $0x0  }
0x30e: {  	[sflag:s0] =	ssyncadd.s32 @!p0 s1  }
0x30f: {  	[bflag:$0x3] =	sbarrier.arrive $0xFFFF  }
0x310: {  	_ =	shalt  }

</sc_bundles>
